<compile_context>
chip_gen: v7x
topology: tpu7x:2x2x1
jax: 0.10.2.dev20260603
libtpu: 0.0.44.dev20260713+nightly
codegen_flags: <defaults>
</compile_context>

<pallas_src>
import jax
import jax.numpy as jnp
from jax import lax
from jax.experimental import pallas as pl
from jax.experimental.pallas import tpu as pltpu
from jax.experimental.pallas import tpu_sc as plsc

NUM_CLASSES = 100000
EMB_DIM = 128
N_NODES = 100000

_NC = 2
_NS = 16
_NW = _NC * _NS

_B_PER_W = 3136
_CHUNK = 224
_NCHUNK = _B_PER_W // _CHUNK
_NBUF = 4
_SPAN = N_NODES - _B_PER_W


def _gather_body(table_hbm, idx_hbm, out_hbm, idx_v, rows_v, *sems):
    gsem = sems[:_NBUF]
    wsem = sems[_NBUF:]
    c = lax.axis_index("c")
    s = lax.axis_index("s")
    wid = s * _NC + c
    base = pl.multiple_of(((wid * _SPAN) // (_NW - 1)) & ~7, 8)
    pltpu.sync_copy(idx_hbm.at[pl.ds(base, _B_PER_W)], idx_v)

    def start_gather(g):
        b = g % _NBUF
        return pltpu.async_copy(
            table_hbm.at[idx_v.at[pl.ds(g * _CHUNK, _CHUNK)]],
            rows_v.at[b], gsem[b])

    def start_write(g):
        b = g % _NBUF
        return pltpu.async_copy(
            rows_v.at[b], out_hbm.at[pl.ds(base + g * _CHUNK, _CHUNK)],
            wsem[b])

    gh = {0: start_gather(0), 1: start_gather(1)}
    wh = {}
    for g in range(_NCHUNK):
        gh[g].wait()
        wh[g] = start_write(g)
        if g + 2 < _NCHUNK:
            if g - 2 >= 0:
                wh[g - 2].wait()
            gh[g + 2] = start_gather(g + 2)
    for g in range(max(0, _NCHUNK - _NBUF), _NCHUNK):
        wh[g].wait()


_mesh = plsc.VectorSubcoreMesh(
    core_axis_name="c", subcore_axis_name="s", num_cores=_NC, num_subcores=_NS
)

_gather_call = pl.kernel(
    _gather_body,
    out_type=jax.ShapeDtypeStruct((N_NODES, EMB_DIM), jnp.float32),
    mesh=_mesh,
    scratch_types=[
        pltpu.VMEM((_B_PER_W,), jnp.int32),
        pltpu.VMEM((_NBUF, _CHUNK, EMB_DIM), jnp.float32),
    ] + [pltpu.SemaphoreType.DMA] * (2 * _NBUF),
)


def kernel(x, W):
    idx = x[:, 0].astype(jnp.int32)
    return _gather_call(W, idx)

# --- scband reference (transcript-rebuilt; emitter-appended) ---
"""Pipeline reference for scband-example-node-encoder-27513560498427 (READ-ONLY COPY).

The authoritative reference and input builder live on the scoring server;
editing this copy changes nothing except your own understanding.
"""

import jax, jax.numpy as jnp
import numpy as np

NUM_CLASSES = 100000
EMB_DIM = 128
N_NODES = 100000

def setup_inputs(seed: int = 0) -> dict:
    key = jax.random.key(seed)
    k_idx, k_w = jax.random.split(key)
    x = jax.random.randint(k_idx, (N_NODES, 1), 0, NUM_CLASSES, dtype=jnp.int64 if jax.config.jax_enable_x64 else jnp.int32)
    # xavier_uniform init for embedding table [num_classes, emb_dim]
    fan_in, fan_out = NUM_CLASSES, EMB_DIM
    limit = float(np.sqrt(6.0 / (fan_in + fan_out)))
    W = jax.random.uniform(k_w, (NUM_CLASSES, EMB_DIM), minval=-limit, maxval=limit, dtype=jnp.float32)
    return {"x": x, "W": W}

def reference(x, W):
    # batch.x = self.encoder(batch.x[:, 0])
    idx = x[:, 0]
    out = jnp.take(W, idx, axis=0)
    return out

if __name__ == "__main__":
    import jax
    _d = setup_inputs()
    print(jax.jit(kernel)(*tuple(_d.values())))

</pallas_src>

<mosaic_0001>
#map = affine_map<(d0, d1) -> (0, 0)>
#map1 = affine_map<(d0, d1) -> (0)>
module attributes {stable_mosaic.version = 14 : i64} {
  func.func @_gather_body(%arg0: i32, %arg1: i32, %arg2: memref<100000x128xf32, #tpu.memory_space<hbm>>, %arg3: memref<100000xi32, #tpu.memory_space<hbm>>, %arg4: memref<100000x128xf32, #tpu.memory_space<hbm>>, %arg5: memref<3136xi32, #tpu.memory_space<vmem>>, %arg6: memref<4x224x128xf32, #tpu.memory_space<vmem>>, %arg7: memref<!tpu.dma_semaphore, #tpu.memory_space<semaphore_mem>>, %arg8: memref<!tpu.dma_semaphore, #tpu.memory_space<semaphore_mem>>, %arg9: memref<!tpu.dma_semaphore, #tpu.memory_space<semaphore_mem>>, %arg10: memref<!tpu.dma_semaphore, #tpu.memory_space<semaphore_mem>>, %arg11: memref<!tpu.dma_semaphore, #tpu.memory_space<semaphore_mem>>, %arg12: memref<!tpu.dma_semaphore, #tpu.memory_space<semaphore_mem>>, %arg13: memref<!tpu.dma_semaphore, #tpu.memory_space<semaphore_mem>>, %arg14: memref<!tpu.dma_semaphore, #tpu.memory_space<semaphore_mem>>) attributes {dimension_semantics = [#tpu.dimension_semantics<core_parallel>, #tpu.dimension_semantics<subcore_parallel>], iteration_bounds = array<i64: 2, 16>, scalar_prefetch = 0 : i64, scratch_operands = 10 : i64, tpu.core_type = #tpu.core_type<sc_vector_subcore>, window_params = [{transform_indices = #map}, {transform_indices = #map1}, {transform_indices = #map}]} {
    %mul3A = arith.constant 2 : i32
    %mul3A_0 = arith.muli %arg1, %mul3A : i32
    %add3A = arith.addi %mul3A_0, %arg0 : i32
    %mul3A_1 = arith.constant 96864 : i32
    %mul3A_2 = arith.muli %add3A, %mul3A_1 : i32
    %jit3A = arith.constant 31 : i32
    %div3A = arith.divsi %mul3A_2, %jit3A : i32
    %sign3A = arith.constant 0 : i32
    %sign3A_3 = arith.cmpi sgt, %mul3A_2, %sign3A : i32
    %sign3A_4 = arith.extui %sign3A_3 : i1 to i32
    %sign3A_5 = arith.constant 0 : i32
    %sign3A_6 = arith.cmpi slt, %mul3A_2, %sign3A_5 : i32
    %sign3A_7 = arith.extui %sign3A_6 : i1 to i32
    %sign3A_8 = arith.subi %sign3A_4, %sign3A_7 : i32
    %sign3A_9 = arith.constant 0 : i32
    %sign3A_10 = arith.cmpi sgt, %jit3A, %sign3A_9 : i32
    %sign3A_11 = arith.extui %sign3A_10 : i1 to i32
    %sign3A_12 = arith.constant 0 : i32
    %sign3A_13 = arith.cmpi slt, %jit3A, %sign3A_12 : i32
    %sign3A_14 = arith.extui %sign3A_13 : i1 to i32
    %sign3A_15 = arith.subi %sign3A_11, %sign3A_14 : i32
    %ne3A = arith.cmpi ne, %sign3A_8, %sign3A_15 : i32
    %rem3A = arith.remsi %mul3A_2, %jit3A : i32
    %ne3A_16 = arith.constant 0 : i32
    %ne3A_17 = arith.cmpi ne, %rem3A, %ne3A_16 : i32
    %and3A = arith.andi %ne3A, %ne3A_17 : i1
    %sub3A = arith.constant 1 : i32
    %sub3A_18 = arith.subi %div3A, %sub3A : i32
    %select_n3A = arith.select %and3A, %sub3A_18, %div3A : i32
    %and3A_19 = arith.constant -8 : i32
    %and3A_20 = arith.andi %select_n3A, %and3A_19 : i32
    %multiple_of3A = tpu.assume_multiple %and3A_20, 8 : i32
    "tpu.region"() ({
      %run_scoped3A = tpu.sem_alloc : memref<!tpu.dma_semaphore, #tpu.memory_space<semaphore_mem>>
      %dma_start3A_691 = tpu.memref_slice %arg3[%multiple_of3A] : memref<100000xi32, #tpu.memory_space<hbm>> -> memref<3136xi32, #tpu.memory_space<hbm>>
      %dma_start3A_692 = tpu.memref_slice %arg3[%multiple_of3A] : memref<100000xi32, #tpu.memory_space<hbm>> -> memref<3136xi32, #tpu.memory_space<hbm>>
      tpu.enqueue_dma source(%dma_start3A_692 : memref<3136xi32, #tpu.memory_space<hbm>>) target(%arg5 : memref<3136xi32, #tpu.memory_space<vmem>>) target_semaphore(%run_scoped3A : memref<!tpu.dma_semaphore, #tpu.memory_space<semaphore_mem>>)
      %dma_wait3A_693 = tpu.memref_slice %arg3[%multiple_of3A] : memref<100000xi32, #tpu.memory_space<hbm>> -> memref<3136xi32, #tpu.memory_space<hbm>>
      %dma_wait3A_694 = tpu.memref_slice %arg3[%multiple_of3A] : memref<100000xi32, #tpu.memory_space<hbm>> -> memref<3136xi32, #tpu.memory_space<hbm>>
      tpu.wait_dma2 semaphore(%run_scoped3A : memref<!tpu.dma_semaphore, #tpu.memory_space<semaphore_mem>>) src(%dma_wait3A_694 : memref<3136xi32, #tpu.memory_space<hbm>>) dst(%arg5 : memref<3136xi32, #tpu.memory_space<vmem>>)
      tpu.yield
    }) : () -> ()
    %dma_start3A = arith.constant 0 : i32
    %dma_start3A_21 = arith.constant 0 : i32
    %dma_start3A_22 = arith.constant 0 : i32
    %dma_start3A_23 = tpu.memref_slice %arg6[%dma_start3A, %dma_start3A_21, %dma_start3A_22] : memref<4x224x128xf32, #tpu.memory_space<vmem>> -> memref<1x224x128xf32, #tpu.memory_space<vmem>>
    %dma_start3A_24 = tpu.memref_squeeze %dma_start3A_23 : memref<1x224x128xf32, #tpu.memory_space<vmem>> -> memref<224x128xf32, #tpu.memory_space<vmem>>
    %dma_start3A_25 = arith.constant 0 : i32
    %dma_start3A_26 = tpu.memref_slice %arg5[%dma_start3A_25] : memref<3136xi32, #tpu.memory_space<vmem>> -> memref<224xi32, #tpu.memory_space<vmem>>
    %dma_start3A_27 = arith.constant 0 : i32
    %dma_start3A_28 = arith.constant 0 : i32
    %dma_start3A_29 = tpu.memref_slice %arg2[%dma_start3A_27, %dma_start3A_28] : memref<100000x128xf32, #tpu.memory_space<hbm>> -> memref<100000x128xf32, #tpu.memory_space<hbm>>
    tpu.enqueue_indirect_dma source(%dma_start3A_29 : memref<100000x128xf32, #tpu.memory_space<hbm>>) target(%dma_start3A_24 : memref<224x128xf32, #tpu.memory_space<vmem>>) offsets(%dma_start3A_26 : memref<224xi32, #tpu.memory_space<vmem>>) semaphore(%arg7 : memref<!tpu.dma_semaphore, #tpu.memory_space<semaphore_mem>>)
    %dma_start3A_30 = arith.constant 1 : i32
    %dma_start3A_31 = arith.constant 0 : i32
    %dma_start3A_32 = arith.constant 0 : i32
    %dma_start3A_33 = tpu.memref_slice %arg6[%dma_start3A_30, %dma_start3A_31, %dma_start3A_32] : memref<4x224x128xf32, #tpu.memory_space<vmem>> -> memref<1x224x128xf32, #tpu.memory_space<vmem>>
    %dma_start3A_34 = tpu.memref_squeeze %dma_start3A_33 : memref<1x224x128xf32, #tpu.memory_space<vmem>> -> memref<224x128xf32, #tpu.memory_space<vmem>>
    %dma_start3A_35 = arith.constant 224 : i32
    %dma_start3A_36 = tpu.memref_slice %arg5[%dma_start3A_35] : memref<3136xi32, #tpu.memory_space<vmem>> -> memref<224xi32, #tpu.memory_space<vmem>>
    %dma_start3A_37 = arith.constant 0 : i32
    %dma_start3A_38 = arith.constant 0 : i32
    %dma_start3A_39 = tpu.memref_slice %arg2[%dma_start3A_37, %dma_start3A_38] : memref<100000x128xf32, #tpu.memory_space<hbm>> -> memref<100000x128xf32, #tpu.memory_space<hbm>>
    tpu.enqueue_indirect_dma source(%dma_start3A_39 : memref<100000x128xf32, #tpu.memory_space<hbm>>) target(%dma_start3A_34 : memref<224x128xf32, #tpu.memory_space<vmem>>) offsets(%dma_start3A_36 : memref<224xi32, #tpu.memory_space<vmem>>) semaphore(%arg8 : memref<!tpu.dma_semaphore, #tpu.memory_space<semaphore_mem>>)
    %dma_wait3A = arith.constant 0 : i32
    %dma_wait3A_40 = arith.constant 0 : i32
    %dma_wait3A_41 = arith.constant 0 : i32
    %dma_wait3A_42 = tpu.memref_slice %arg6[%dma_wait3A, %dma_wait3A_40, %dma_wait3A_41] : memref<4x224x128xf32, #tpu.memory_space<vmem>> -> memref<1x224x128xf32, #tpu.memory_space<vmem>>
    %dma_wait3A_43 = tpu.memref_squeeze %dma_wait3A_42 : memref<1x224x128xf32, #tpu.memory_space<vmem>> -> memref<224x128xf32, #tpu.memory_space<vmem>>
    %dma_wait3A_44 = arith.constant 0 : i32
    %dma_wait3A_45 = tpu.memref_slice %arg5[%dma_wait3A_44] : memref<3136xi32, #tpu.memory_space<vmem>> -> memref<224xi32, #tpu.memory_space<vmem>>
    %dma_wait3A_46 = arith.constant 0 : i32
    %dma_wait3A_47 = arith.constant 0 : i32
    %dma_wait3A_48 = tpu.memref_slice %arg2[%dma_wait3A_46, %dma_wait3A_47] : memref<100000x128xf32, #tpu.memory_space<hbm>> -> memref<100000x128xf32, #tpu.memory_space<hbm>>
    tpu.wait_indirect_dma semaphore(%arg7 : memref<!tpu.dma_semaphore, #tpu.memory_space<semaphore_mem>>) src(%dma_wait3A_48 : memref<100000x128xf32, #tpu.memory_space<hbm>>) dst(%dma_wait3A_43 : memref<224x128xf32, #tpu.memory_space<vmem>>)
    %add3A_49 = arith.constant 0 : i32
    %add3A_50 = arith.addi %multiple_of3A, %add3A_49 : i32
    %dma_start3A_51 = arith.constant 0 : i32
    %dma_start3A_52 = arith.constant 0 : i32
    %dma_start3A_53 = arith.constant 0 : i32
    %dma_start3A_54 = tpu.memref_slice %arg6[%dma_start3A_51, %dma_start3A_52, %dma_start3A_53] : memref<4x224x128xf32, #tpu.memory_space<vmem>> -> memref<1x224x128xf32, #tpu.memory_space<vmem>>
    %dma_start3A_55 = tpu.memref_squeeze %dma_start3A_54 : memref<1x224x128xf32, #tpu.memory_space<vmem>> -> memref<224x128xf32, #tpu.memory_space<vmem>>
    %dma_start3A_56 = arith.constant 0 : i32
    %dma_start3A_57 = tpu.memref_slice %arg4[%add3A_50, %dma_start3A_56] : memref<100000x128xf32, #tpu.memory_space<hbm>> -> memref<224x128xf32, #tpu.memory_space<hbm>>
    %dma_start3A_58 = arith.constant 0 : i32
    %dma_start3A_59 = tpu.memref_slice %arg4[%add3A_50, %dma_start3A_58] : memref<100000x128xf32, #tpu.memory_space<hbm>> -> memref<224x128xf32, #tpu.memory_space<hbm>>
    %dma_start3A_60 = arith.constant 0 : i32
    %dma_start3A_61 = arith.constant 0 : i32
    %dma_start3A_62 = tpu.memref_slice %arg6[%dma_start3A_51, %dma_start3A_60, %dma_start3A_61] : memref<4x224x128xf32, #tpu.memory_space<vmem>> -> memref<1x224x128xf32, #tpu.memory_space<vmem>>
    %dma_start3A_63 = tpu.memref_squeeze %dma_start3A_62 : memref<1x224x128xf32, #tpu.memory_space<vmem>> -> memref<224x128xf32, #tpu.memory_space<vmem>>
    tpu.enqueue_dma source(%dma_start3A_63 : memref<224x128xf32, #tpu.memory_space<vmem>>) target(%dma_start3A_59 : memref<224x128xf32, #tpu.memory_space<hbm>>) target_semaphore(%arg11 : memref<!tpu.dma_semaphore, #tpu.memory_space<semaphore_mem>>)
    %dma_start3A_64 = arith.constant 2 : i32
    %dma_start3A_65 = arith.constant 0 : i32
    %dma_start3A_66 = arith.constant 0 : i32
    %dma_start3A_67 = tpu.memref_slice %arg6[%dma_start3A_64, %dma_start3A_65, %dma_start3A_66] : memref<4x224x128xf32, #tpu.memory_space<vmem>> -> memref<1x224x128xf32, #tpu.memory_space<vmem>>
    %dma_start3A_68 = tpu.memref_squeeze %dma_start3A_67 : memref<1x224x128xf32, #tpu.memory_space<vmem>> -> memref<224x128xf32, #tpu.memory_space<vmem>>
    %dma_start3A_69 = arith.constant 448 : i32
    %dma_start3A_70 = tpu.memref_slice %arg5[%dma_start3A_69] : memref<3136xi32, #tpu.memory_space<vmem>> -> memref<224xi32, #tpu.memory_space<vmem>>
    %dma_start3A_71 = arith.constant 0 : i32
    %dma_start3A_72 = arith.constant 0 : i32
    %dma_start3A_73 = tpu.memref_slice %arg2[%dma_start3A_71, %dma_start3A_72] : memref<100000x128xf32, #tpu.memory_space<hbm>> -> memref<100000x128xf32, #tpu.memory_space<hbm>>
    tpu.enqueue_indirect_dma source(%dma_start3A_73 : memref<100000x128xf32, #tpu.memory_space<hbm>>) target(%dma_start3A_68 : memref<224x128xf32, #tpu.memory_space<vmem>>) offsets(%dma_start3A_70 : memref<224xi32, #tpu.memory_space<vmem>>) semaphore(%arg9 : memref<!tpu.dma_semaphore, #tpu.memory_space<semaphore_mem>>)
    %dma_wait3A_74 = arith.constant 1 : i32
    %dma_wait3A_75 = arith.constant 0 : i32
    %dma_wait3A_76 = arith.constant 0 : i32
    %dma_wait3A_77 = tpu.memref_slice %arg6[%dma_wait3A_74, %dma_wait3A_75, %dma_wait3A_76] : memref<4x224x128xf32, #tpu.memory_space<vmem>> -> memref<1x224x128xf32, #tpu.memory_space<vmem>>
    %dma_wait3A_78 = tpu.memref_squeeze %dma_wait3A_77 : memref<1x224x128xf32, #tpu.memory_space<vmem>> -> memref<224x128xf32, #tpu.memory_space<vmem>>
    %dma_wait3A_79 = arith.constant 224 : i32
    %dma_wait3A_80 = tpu.memref_slice %arg5[%dma_wait3A_79] : memref<3136xi32, #tpu.memory_space<vmem>> -> memref<224xi32, #tpu.memory_space<vmem>>
    %dma_wait3A_81 = arith.constant 0 : i32
    %dma_wait3A_82 = arith.constant 0 : i32
    %dma_wait3A_83 = tpu.memref_slice %arg2[%dma_wait3A_81, %dma_wait3A_82] : memref<100000x128xf32, #tpu.memory_space<hbm>> -> memref<100000x128xf32, #tpu.memory_space<hbm>>
    tpu.wait_indirect_dma semaphore(%arg8 : memref<!tpu.dma_semaphore, #tpu.memory_space<semaphore_mem>>) src(%dma_wait3A_83 : memref<100000x128xf32, #tpu.memory_space<hbm>>) dst(%dma_wait3A_78 : memref<224x128xf32, #tpu.memory_space<vmem>>)
    %add3A_84 = arith.constant 224 : i32
    %add3A_85 = arith.addi %multiple_of3A, %add3A_84 : i32
    %dma_start3A_86 = arith.constant 1 : i32
    %dma_start3A_87 = arith.constant 0 : i32
    %dma_start3A_88 = arith.constant 0 : i32
    %dma_start3A_89 = tpu.memref_slice %arg6[%dma_start3A_86, %dma_start3A_87, %dma_start3A_88] : memref<4x224x128xf32, #tpu.memory_space<vmem>> -> memref<1x224x128xf32, #tpu.memory_space<vmem>>
    %dma_start3A_90 = tpu.memref_squeeze %dma_start3A_89 : memref<1x224x128xf32, #tpu.memory_space<vmem>> -> memref<224x128xf32, #tpu.memory_space<vmem>>
    %dma_start3A_91 = arith.constant 0 : i32
    %dma_start3A_92 = tpu.memref_slice %arg4[%add3A_85, %dma_start3A_91] : memref<100000x128xf32, #tpu.memory_space<hbm>> -> memref<224x128xf32, #tpu.memory_space<hbm>>
    %dma_start3A_93 = arith.constant 0 : i32
    %dma_start3A_94 = tpu.memref_slice %arg4[%add3A_85, %dma_start3A_93] : memref<100000x128xf32, #tpu.memory_space<hbm>> -> memref<224x128xf32, #tpu.memory_space<hbm>>
    %dma_start3A_95 = arith.constant 0 : i32
    %dma_start3A_96 = arith.constant 0 : i32
    %dma_start3A_97 = tpu.memref_slice %arg6[%dma_start3A_86, %dma_start3A_95, %dma_start3A_96] : memref<4x224x128xf32, #tpu.memory_space<vmem>> -> memref<1x224x128xf32, #tpu.memory_space<vmem>>
    %dma_start3A_98 = tpu.memref_squeeze %dma_start3A_97 : memref<1x224x128xf32, #tpu.memory_space<vmem>> -> memref<224x128xf32, #tpu.memory_space<vmem>>
    tpu.enqueue_dma source(%dma_start3A_98 : memref<224x128xf32, #tpu.memory_space<vmem>>) target(%dma_start3A_94 : memref<224x128xf32, #tpu.memory_space<hbm>>) target_semaphore(%arg12 : memref<!tpu.dma_semaphore, #tpu.memory_space<semaphore_mem>>)
    %dma_start3A_99 = arith.constant 3 : i32
    %dma_start3A_100 = arith.constant 0 : i32
    %dma_start3A_101 = arith.constant 0 : i32
    %dma_start3A_102 = tpu.memref_slice %arg6[%dma_start3A_99, %dma_start3A_100, %dma_start3A_101] : memref<4x224x128xf32, #tpu.memory_space<vmem>> -> memref<1x224x128xf32, #tpu.memory_space<vmem>>
    %dma_start3A_103 = tpu.memref_squeeze %dma_start3A_102 : memref<1x224x128xf32, #tpu.memory_space<vmem>> -> memref<224x128xf32, #tpu.memory_space<vmem>>
    %dma_start3A_104 = arith.constant 672 : i32
    %dma_start3A_105 = tpu.memref_slice %arg5[%dma_start3A_104] : memref<3136xi32, #tpu.memory_space<vmem>> -> memref<224xi32, #tpu.memory_space<vmem>>
    %dma_start3A_106 = arith.constant 0 : i32
    %dma_start3A_107 = arith.constant 0 : i32
    %dma_start3A_108 = tpu.memref_slice %arg2[%dma_start3A_106, %dma_start3A_107] : memref<100000x128xf32, #tpu.memory_space<hbm>> -> memref<100000x128xf32, #tpu.memory_space<hbm>>
    tpu.enqueue_indirect_dma source(%dma_start3A_108 : memref<100000x128xf32, #tpu.memory_space<hbm>>) target(%dma_start3A_103 : memref<224x128xf32, #tpu.memory_space<vmem>>) offsets(%dma_start3A_105 : memref<224xi32, #tpu.memory_space<vmem>>) semaphore(%arg10 : memref<!tpu.dma_semaphore, #tpu.memory_space<semaphore_mem>>)
    %dma_wait3A_109 = arith.constant 2 : i32
    %dma_wait3A_110 = arith.constant 0 : i32
    %dma_wait3A_111 = arith.constant 0 : i32
    %dma_wait3A_112 = tpu.memref_slice %arg6[%dma_wait3A_109, %dma_wait3A_110, %dma_wait3A_111] : memref<4x224x128xf32, #tpu.memory_space<vmem>> -> memref<1x224x128xf32, #tpu.memory_space<vmem>>
    %dma_wait3A_113 = tpu.memref_squeeze %dma_wait3A_112 : memref<1x224x128xf32, #tpu.memory_space<vmem>> -> memref<224x128xf32, #tpu.memory_space<vmem>>
    %dma_wait3A_114 = arith.constant 448 : i32
    %dma_wait3A_115 = tpu.memref_slice %arg5[%dma_wait3A_114] : memref<3136xi32, #tpu.memory_space<vmem>> -> memref<224xi32, #tpu.memory_space<vmem>>
    %dma_wait3A_116 = arith.constant 0 : i32
    %dma_wait3A_117 = arith.constant 0 : i32
    %dma_wait3A_118 = tpu.memref_slice %arg2[%dma_wait3A_116, %dma_wait3A_117] : memref<100000x128xf32, #tpu.memory_space<hbm>> -> memref<100000x128xf32, #tpu.memory_space<hbm>>
    tpu.wait_indirect_dma semaphore(%arg9 : memref<!tpu.dma_semaphore, #tpu.memory_space<semaphore_mem>>) src(%dma_wait3A_118 : memref<100000x128xf32, #tpu.memory_space<hbm>>) dst(%dma_wait3A_113 : memref<224x128xf32, #tpu.memory_space<vmem>>)
    %add3A_119 = arith.constant 448 : i32
    %add3A_120 = arith.addi %multiple_of3A, %add3A_119 : i32
    %dma_start3A_121 = arith.constant 2 : i32
    %dma_start3A_122 = arith.constant 0 : i32
    %dma_start3A_123 = arith.constant 0 : i32
    %dma_start3A_124 = tpu.memref_slice %arg6[%dma_start3A_121, %dma_start3A_122, %dma_start3A_123] : memref<4x224x128xf32, #tpu.memory_space<vmem>> -> memref<1x224x128xf32, #tpu.memory_space<vmem>>
    %dma_start3A_125 = tpu.memref_squeeze %dma_start3A_124 : memref<1x224x128xf32, #tpu.memory_space<vmem>> -> memref<224x128xf32, #tpu.memory_space<vmem>>
    %dma_start3A_126 = arith.constant 0 : i32
    %dma_start3A_127 = tpu.memref_slice %arg4[%add3A_120, %dma_start3A_126] : memref<100000x128xf32, #tpu.memory_space<hbm>> -> memref<224x128xf32, #tpu.memory_space<hbm>>
    %dma_start3A_128 = arith.constant 0 : i32
    %dma_start3A_129 = tpu.memref_slice %arg4[%add3A_120, %dma_start3A_128] : memref<100000x128xf32, #tpu.memory_space<hbm>> -> memref<224x128xf32, #tpu.memory_space<hbm>>
    %dma_start3A_130 = arith.constant 0 : i32
    %dma_start3A_131 = arith.constant 0 : i32
    %dma_start3A_132 = tpu.memref_slice %arg6[%dma_start3A_121, %dma_start3A_130, %dma_start3A_131] : memref<4x224x128xf32, #tpu.memory_space<vmem>> -> memref<1x224x128xf32, #tpu.memory_space<vmem>>
    %dma_start3A_133 = tpu.memref_squeeze %dma_start3A_132 : memref<1x224x128xf32, #tpu.memory_space<vmem>> -> memref<224x128xf32, #tpu.memory_space<vmem>>
    tpu.enqueue_dma source(%dma_start3A_133 : memref<224x128xf32, #tpu.memory_space<vmem>>) target(%dma_start3A_129 : memref<224x128xf32, #tpu.memory_space<hbm>>) target_semaphore(%arg13 : memref<!tpu.dma_semaphore, #tpu.memory_space<semaphore_mem>>)
    %dma_wait3A_134 = arith.constant 0 : i32
    %dma_wait3A_135 = arith.constant 0 : i32
    %dma_wait3A_136 = arith.constant 0 : i32
    %dma_wait3A_137 = tpu.memref_slice %arg6[%dma_wait3A_134, %dma_wait3A_135, %dma_wait3A_136] : memref<4x224x128xf32, #tpu.memory_space<vmem>> -> memref<1x224x128xf32, #tpu.memory_space<vmem>>
    %dma_wait3A_138 = tpu.memref_squeeze %dma_wait3A_137 : memref<1x224x128xf32, #tpu.memory_space<vmem>> -> memref<224x128xf32, #tpu.memory_space<vmem>>
    %dma_wait3A_139 = arith.constant 0 : i32
    %dma_wait3A_140 = tpu.memref_slice %arg4[%add3A_50, %dma_wait3A_139] : memref<100000x128xf32, #tpu.memory_space<hbm>> -> memref<224x128xf32, #tpu.memory_space<hbm>>
    %dma_wait3A_141 = arith.constant 0 : i32
    %dma_wait3A_142 = tpu.memref_slice %arg4[%add3A_50, %dma_wait3A_141] : memref<100000x128xf32, #tpu.memory_space<hbm>> -> memref<224x128xf32, #tpu.memory_space<hbm>>
    %dma_wait3A_143 = arith.constant 0 : i32
    %dma_wait3A_144 = arith.constant 0 : i32
    %dma_wait3A_145 = tpu.memref_slice %arg6[%dma_wait3A_134, %dma_wait3A_143, %dma_wait3A_144] : memref<4x224x128xf32, #tpu.memory_space<vmem>> -> memref<1x224x128xf32, #tpu.memory_space<vmem>>
    %dma_wait3A_146 = tpu.memref_squeeze %dma_wait3A_145 : memref<1x224x128xf32, #tpu.memory_space<vmem>> -> memref<224x128xf32, #tpu.memory_space<vmem>>
    tpu.wait_dma2 semaphore(%arg11 : memref<!tpu.dma_semaphore, #tpu.memory_space<semaphore_mem>>) src(%dma_wait3A_146 : memref<224x128xf32, #tpu.memory_space<vmem>>) dst(%dma_wait3A_142 : memref<224x128xf32, #tpu.memory_space<hbm>>)
    %dma_start3A_147 = arith.constant 0 : i32
    %dma_start3A_148 = arith.constant 0 : i32
    %dma_start3A_149 = arith.constant 0 : i32
    %dma_start3A_150 = tpu.memref_slice %arg6[%dma_start3A_147, %dma_start3A_148, %dma_start3A_149] : memref<4x224x128xf32, #tpu.memory_space<vmem>> -> memref<1x224x128xf32, #tpu.memory_space<vmem>>
    %dma_start3A_151 = tpu.memref_squeeze %dma_start3A_150 : memref<1x224x128xf32, #tpu.memory_space<vmem>> -> memref<224x128xf32, #tpu.memory_space<vmem>>
    %dma_start3A_152 = arith.constant 896 : i32
    %dma_start3A_153 = tpu.memref_slice %arg5[%dma_start3A_152] : memref<3136xi32, #tpu.memory_space<vmem>> -> memref<224xi32, #tpu.memory_space<vmem>>
    %dma_start3A_154 = arith.constant 0 : i32
    %dma_start3A_155 = arith.constant 0 : i32
    %dma_start3A_156 = tpu.memref_slice %arg2[%dma_start3A_154, %dma_start3A_155] : memref<100000x128xf32, #tpu.memory_space<hbm>> -> memref<100000x128xf32, #tpu.memory_space<hbm>>
    tpu.enqueue_indirect_dma source(%dma_start3A_156 : memref<100000x128xf32, #tpu.memory_space<hbm>>) target(%dma_start3A_151 : memref<224x128xf32, #tpu.memory_space<vmem>>) offsets(%dma_start3A_153 : memref<224xi32, #tpu.memory_space<vmem>>) semaphore(%arg7 : memref<!tpu.dma_semaphore, #tpu.memory_space<semaphore_mem>>)
    %dma_wait3A_157 = arith.constant 3 : i32
    %dma_wait3A_158 = arith.constant 0 : i32
    %dma_wait3A_159 = arith.constant 0 : i32
    %dma_wait3A_160 = tpu.memref_slice %arg6[%dma_wait3A_157, %dma_wait3A_158, %dma_wait3A_159] : memref<4x224x128xf32, #tpu.memory_space<vmem>> -> memref<1x224x128xf32, #tpu.memory_space<vmem>>
    %dma_wait3A_161 = tpu.memref_squeeze %dma_wait3A_160 : memref<1x224x128xf32, #tpu.memory_space<vmem>> -> memref<224x128xf32, #tpu.memory_space<vmem>>
    %dma_wait3A_162 = arith.constant 672 : i32
    %dma_wait3A_163 = tpu.memref_slice %arg5[%dma_wait3A_162] : memref<3136xi32, #tpu.memory_space<vmem>> -> memref<224xi32, #tpu.memory_space<vmem>>
    %dma_wait3A_164 = arith.constant 0 : i32
    %dma_wait3A_165 = arith.constant 0 : i32
    %dma_wait3A_166 = tpu.memref_slice %arg2[%dma_wait3A_164, %dma_wait3A_165] : memref<100000x128xf32, #tpu.memory_space<hbm>> -> memref<100000x128xf32, #tpu.memory_space<hbm>>
    tpu.wait_indirect_dma semaphore(%arg10 : memref<!tpu.dma_semaphore, #tpu.memory_space<semaphore_mem>>) src(%dma_wait3A_166 : memref<100000x128xf32, #tpu.memory_space<hbm>>) dst(%dma_wait3A_161 : memref<224x128xf32, #tpu.memory_space<vmem>>)
    %add3A_167 = arith.constant 672 : i32
    %add3A_168 = arith.addi %multiple_of3A, %add3A_167 : i32
    %dma_start3A_169 = arith.constant 3 : i32
    %dma_start3A_170 = arith.constant 0 : i32
    %dma_start3A_171 = arith.constant 0 : i32
    %dma_start3A_172 = tpu.memref_slice %arg6[%dma_start3A_169, %dma_start3A_170, %dma_start3A_171] : memref<4x224x128xf32, #tpu.memory_space<vmem>> -> memref<1x224x128xf32, #tpu.memory_space<vmem>>
    %dma_start3A_173 = tpu.memref_squeeze %dma_start3A_172 : memref<1x224x128xf32, #tpu.memory_space<vmem>> -> memref<224x128xf32, #tpu.memory_space<vmem>>
    %dma_start3A_174 = arith.constant 0 : i32
    %dma_start3A_175 = tpu.memref_slice %arg4[%add3A_168, %dma_start3A_174] : memref<100000x128xf32, #tpu.memory_space<hbm>> -> memref<224x128xf32, #tpu.memory_space<hbm>>
    %dma_start3A_176 = arith.constant 0 : i32
    %dma_start3A_177 = tpu.memref_slice %arg4[%add3A_168, %dma_start3A_176] : memref<100000x128xf32, #tpu.memory_space<hbm>> -> memref<224x128xf32, #tpu.memory_space<hbm>>
    %dma_start3A_178 = arith.constant 0 : i32
    %dma_start3A_179 = arith.constant 0 : i32
    %dma_start3A_180 = tpu.memref_slice %arg6[%dma_start3A_169, %dma_start3A_178, %dma_start3A_179] : memref<4x224x128xf32, #tpu.memory_space<vmem>> -> memref<1x224x128xf32, #tpu.memory_space<vmem>>
    %dma_start3A_181 = tpu.memref_squeeze %dma_start3A_180 : memref<1x224x128xf32, #tpu.memory_space<vmem>> -> memref<224x128xf32, #tpu.memory_space<vmem>>
    tpu.enqueue_dma source(%dma_start3A_181 : memref<224x128xf32, #tpu.memory_space<vmem>>) target(%dma_start3A_177 : memref<224x128xf32, #tpu.memory_space<hbm>>) target_semaphore(%arg14 : memref<!tpu.dma_semaphore, #tpu.memory_space<semaphore_mem>>)
    %dma_wait3A_182 = arith.constant 1 : i32
    %dma_wait3A_183 = arith.constant 0 : i32
    %dma_wait3A_184 = arith.constant 0 : i32
    %dma_wait3A_185 = tpu.memref_slice %arg6[%dma_wait3A_182, %dma_wait3A_183, %dma_wait3A_184] : memref<4x224x128xf32, #tpu.memory_space<vmem>> -> memref<1x224x128xf32, #tpu.memory_space<vmem>>
    %dma_wait3A_186 = tpu.memref_squeeze %dma_wait3A_185 : memref<1x224x128xf32, #tpu.memory_space<vmem>> -> memref<224x128xf32, #tpu.memory_space<vmem>>
    %dma_wait3A_187 = arith.constant 0 : i32
    %dma_wait3A_188 = tpu.memref_slice %arg4[%add3A_85, %dma_wait3A_187] : memref<100000x128xf32, #tpu.memory_space<hbm>> -> memref<224x128xf32, #tpu.memory_space<hbm>>
    %dma_wait3A_189 = arith.constant 0 : i32
    %dma_wait3A_190 = tpu.memref_slice %arg4[%add3A_85, %dma_wait3A_189] : memref<100000x128xf32, #tpu.memory_space<hbm>> -> memref<224x128xf32, #tpu.memory_space<hbm>>
    %dma_wait3A_191 = arith.constant 0 : i32
    %dma_wait3A_192 = arith.constant 0 : i32
    %dma_wait3A_193 = tpu.memref_slice %arg6[%dma_wait3A_182, %dma_wait3A_191, %dma_wait3A_192] : memref<4x224x128xf32, #tpu.memory_space<vmem>> -> memref<1x224x128xf32, #tpu.memory_space<vmem>>
    %dma_wait3A_194 = tpu.memref_squeeze %dma_wait3A_193 : memref<1x224x128xf32, #tpu.memory_space<vmem>> -> memref<224x128xf32, #tpu.memory_space<vmem>>
    tpu.wait_dma2 semaphore(%arg12 : memref<!tpu.dma_semaphore, #tpu.memory_space<semaphore_mem>>) src(%dma_wait3A_194 : memref<224x128xf32, #tpu.memory_space<vmem>>) dst(%dma_wait3A_190 : memref<224x128xf32, #tpu.memory_space<hbm>>)
    %dma_start3A_195 = arith.constant 1 : i32
    %dma_start3A_196 = arith.constant 0 : i32
    %dma_start3A_197 = arith.constant 0 : i32
    %dma_start3A_198 = tpu.memref_slice %arg6[%dma_start3A_195, %dma_start3A_196, %dma_start3A_197] : memref<4x224x128xf32, #tpu.memory_space<vmem>> -> memref<1x224x128xf32, #tpu.memory_space<vmem>>
    %dma_start3A_199 = tpu.memref_squeeze %dma_start3A_198 : memref<1x224x128xf32, #tpu.memory_space<vmem>> -> memref<224x128xf32, #tpu.memory_space<vmem>>
    %dma_start3A_200 = arith.constant 1120 : i32
    %dma_start3A_201 = tpu.memref_slice %arg5[%dma_start3A_200] : memref<3136xi32, #tpu.memory_space<vmem>> -> memref<224xi32, #tpu.memory_space<vmem>>
    %dma_start3A_202 = arith.constant 0 : i32
    %dma_start3A_203 = arith.constant 0 : i32
    %dma_start3A_204 = tpu.memref_slice %arg2[%dma_start3A_202, %dma_start3A_203] : memref<100000x128xf32, #tpu.memory_space<hbm>> -> memref<100000x128xf32, #tpu.memory_space<hbm>>
    tpu.enqueue_indirect_dma source(%dma_start3A_204 : memref<100000x128xf32, #tpu.memory_space<hbm>>) target(%dma_start3A_199 : memref<224x128xf32, #tpu.memory_space<vmem>>) offsets(%dma_start3A_201 : memref<224xi32, #tpu.memory_space<vmem>>) semaphore(%arg8 : memref<!tpu.dma_semaphore, #tpu.memory_space<semaphore_mem>>)
    %dma_wait3A_205 = arith.constant 0 : i32
    %dma_wait3A_206 = arith.constant 0 : i32
    %dma_wait3A_207 = arith.constant 0 : i32
    %dma_wait3A_208 = tpu.memref_slice %arg6[%dma_wait3A_205, %dma_wait3A_206, %dma_wait3A_207] : memref<4x224x128xf32, #tpu.memory_space<vmem>> -> memref<1x224x128xf32, #tpu.memory_space<vmem>>
    %dma_wait3A_209 = tpu.memref_squeeze %dma_wait3A_208 : memref<1x224x128xf32, #tpu.memory_space<vmem>> -> memref<224x128xf32, #tpu.memory_space<vmem>>
    %dma_wait3A_210 = arith.constant 896 : i32
    %dma_wait3A_211 = tpu.memref_slice %arg5[%dma_wait3A_210] : memref<3136xi32, #tpu.memory_space<vmem>> -> memref<224xi32, #tpu.memory_space<vmem>>
    %dma_wait3A_212 = arith.constant 0 : i32
    %dma_wait3A_213 = arith.constant 0 : i32
    %dma_wait3A_214 = tpu.memref_slice %arg2[%dma_wait3A_212, %dma_wait3A_213] : memref<100000x128xf32, #tpu.memory_space<hbm>> -> memref<100000x128xf32, #tpu.memory_space<hbm>>
    tpu.wait_indirect_dma semaphore(%arg7 : memref<!tpu.dma_semaphore, #tpu.memory_space<semaphore_mem>>) src(%dma_wait3A_214 : memref<100000x128xf32, #tpu.memory_space<hbm>>) dst(%dma_wait3A_209 : memref<224x128xf32, #tpu.memory_space<vmem>>)
    %add3A_215 = arith.constant 896 : i32
    %add3A_216 = arith.addi %multiple_of3A, %add3A_215 : i32
    %dma_start3A_217 = arith.constant 0 : i32
    %dma_start3A_218 = arith.constant 0 : i32
    %dma_start3A_219 = arith.constant 0 : i32
    %dma_start3A_220 = tpu.memref_slice %arg6[%dma_start3A_217, %dma_start3A_218, %dma_start3A_219] : memref<4x224x128xf32, #tpu.memory_space<vmem>> -> memref<1x224x128xf32, #tpu.memory_space<vmem>>
    %dma_start3A_221 = tpu.memref_squeeze %dma_start3A_220 : memref<1x224x128xf32, #tpu.memory_space<vmem>> -> memref<224x128xf32, #tpu.memory_space<vmem>>
    %dma_start3A_222 = arith.constant 0 : i32
    %dma_start3A_223 = tpu.memref_slice %arg4[%add3A_216, %dma_start3A_222] : memref<100000x128xf32, #tpu.memory_space<hbm>> -> memref<224x128xf32, #tpu.memory_space<hbm>>
    %dma_start3A_224 = arith.constant 0 : i32
    %dma_start3A_225 = tpu.memref_slice %arg4[%add3A_216, %dma_start3A_224] : memref<100000x128xf32, #tpu.memory_space<hbm>> -> memref<224x128xf32, #tpu.memory_space<hbm>>
    %dma_start3A_226 = arith.constant 0 : i32
    %dma_start3A_227 = arith.constant 0 : i32
    %dma_start3A_228 = tpu.memref_slice %arg6[%dma_start3A_217, %dma_start3A_226, %dma_start3A_227] : memref<4x224x128xf32, #tpu.memory_space<vmem>> -> memref<1x224x128xf32, #tpu.memory_space<vmem>>
    %dma_start3A_229 = tpu.memref_squeeze %dma_start3A_228 : memref<1x224x128xf32, #tpu.memory_space<vmem>> -> memref<224x128xf32, #tpu.memory_space<vmem>>
    tpu.enqueue_dma source(%dma_start3A_229 : memref<224x128xf32, #tpu.memory_space<vmem>>) target(%dma_start3A_225 : memref<224x128xf32, #tpu.memory_space<hbm>>) target_semaphore(%arg11 : memref<!tpu.dma_semaphore, #tpu.memory_space<semaphore_mem>>)
    %dma_wait3A_230 = arith.constant 2 : i32
    %dma_wait3A_231 = arith.constant 0 : i32
    %dma_wait3A_232 = arith.constant 0 : i32
    %dma_wait3A_233 = tpu.memref_slice %arg6[%dma_wait3A_230, %dma_wait3A_231, %dma_wait3A_232] : memref<4x224x128xf32, #tpu.memory_space<vmem>> -> memref<1x224x128xf32, #tpu.memory_space<vmem>>
    %dma_wait3A_234 = tpu.memref_squeeze %dma_wait3A_233 : memref<1x224x128xf32, #tpu.memory_space<vmem>> -> memref<224x128xf32, #tpu.memory_space<vmem>>
    %dma_wait3A_235 = arith.constant 0 : i32
    %dma_wait3A_236 = tpu.memref_slice %arg4[%add3A_120, %dma_wait3A_235] : memref<100000x128xf32, #tpu.memory_space<hbm>> -> memref<224x128xf32, #tpu.memory_space<hbm>>
    %dma_wait3A_237 = arith.constant 0 : i32
    %dma_wait3A_238 = tpu.memref_slice %arg4[%add3A_120, %dma_wait3A_237] : memref<100000x128xf32, #tpu.memory_space<hbm>> -> memref<224x128xf32, #tpu.memory_space<hbm>>
    %dma_wait3A_239 = arith.constant 0 : i32
    %dma_wait3A_240 = arith.constant 0 : i32
    %dma_wait3A_241 = tpu.memref_slice %arg6[%dma_wait3A_230, %dma_wait3A_239, %dma_wait3A_240] : memref<4x224x128xf32, #tpu.memory_space<vmem>> -> memref<1x224x128xf32, #tpu.memory_space<vmem>>
    %dma_wait3A_242 = tpu.memref_squeeze %dma_wait3A_241 : memref<1x224x128xf32, #tpu.memory_space<vmem>> -> memref<224x128xf32, #tpu.memory_space<vmem>>
    tpu.wait_dma2 semaphore(%arg13 : memref<!tpu.dma_semaphore, #tpu.memory_space<semaphore_mem>>) src(%dma_wait3A_242 : memref<224x128xf32, #tpu.memory_space<vmem>>) dst(%dma_wait3A_238 : memref<224x128xf32, #tpu.memory_space<hbm>>)
    %dma_start3A_243 = arith.constant 2 : i32
    %dma_start3A_244 = arith.constant 0 : i32
    %dma_start3A_245 = arith.constant 0 : i32
    %dma_start3A_246 = tpu.memref_slice %arg6[%dma_start3A_243, %dma_start3A_244, %dma_start3A_245] : memref<4x224x128xf32, #tpu.memory_space<vmem>> -> memref<1x224x128xf32, #tpu.memory_space<vmem>>
    %dma_start3A_247 = tpu.memref_squeeze %dma_start3A_246 : memref<1x224x128xf32, #tpu.memory_space<vmem>> -> memref<224x128xf32, #tpu.memory_space<vmem>>
    %dma_start3A_248 = arith.constant 1344 : i32
    %dma_start3A_249 = tpu.memref_slice %arg5[%dma_start3A_248] : memref<3136xi32, #tpu.memory_space<vmem>> -> memref<224xi32, #tpu.memory_space<vmem>>
    %dma_start3A_250 = arith.constant 0 : i32
    %dma_start3A_251 = arith.constant 0 : i32
    %dma_start3A_252 = tpu.memref_slice %arg2[%dma_start3A_250, %dma_start3A_251] : memref<100000x128xf32, #tpu.memory_space<hbm>> -> memref<100000x128xf32, #tpu.memory_space<hbm>>
    tpu.enqueue_indirect_dma source(%dma_start3A_252 : memref<100000x128xf32, #tpu.memory_space<hbm>>) target(%dma_start3A_247 : memref<224x128xf32, #tpu.memory_space<vmem>>) offsets(%dma_start3A_249 : memref<224xi32, #tpu.memory_space<vmem>>) semaphore(%arg9 : memref<!tpu.dma_semaphore, #tpu.memory_space<semaphore_mem>>)
    %dma_wait3A_253 = arith.constant 1 : i32
    %dma_wait3A_254 = arith.constant 0 : i32
    %dma_wait3A_255 = arith.constant 0 : i32
    %dma_wait3A_256 = tpu.memref_slice %arg6[%dma_wait3A_253, %dma_wait3A_254, %dma_wait3A_255] : memref<4x224x128xf32, #tpu.memory_space<vmem>> -> memref<1x224x128xf32, #tpu.memory_space<vmem>>
    %dma_wait3A_257 = tpu.memref_squeeze %dma_wait3A_256 : memref<1x224x128xf32, #tpu.memory_space<vmem>> -> memref<224x128xf32, #tpu.memory_space<vmem>>
    %dma_wait3A_258 = arith.constant 1120 : i32
    %dma_wait3A_259 = tpu.memref_slice %arg5[%dma_wait3A_258] : memref<3136xi32, #tpu.memory_space<vmem>> -> memref<224xi32, #tpu.memory_space<vmem>>
    %dma_wait3A_260 = arith.constant 0 : i32
    %dma_wait3A_261 = arith.constant 0 : i32
    %dma_wait3A_262 = tpu.memref_slice %arg2[%dma_wait3A_260, %dma_wait3A_261] : memref<100000x128xf32, #tpu.memory_space<hbm>> -> memref<100000x128xf32, #tpu.memory_space<hbm>>
    tpu.wait_indirect_dma semaphore(%arg8 : memref<!tpu.dma_semaphore, #tpu.memory_space<semaphore_mem>>) src(%dma_wait3A_262 : memref<100000x128xf32, #tpu.memory_space<hbm>>) dst(%dma_wait3A_257 : memref<224x128xf32, #tpu.memory_space<vmem>>)
    %add3A_263 = arith.constant 1120 : i32
    %add3A_264 = arith.addi %multiple_of3A, %add3A_263 : i32
    %dma_start3A_265 = arith.constant 1 : i32
    %dma_start3A_266 = arith.constant 0 : i32
    %dma_start3A_267 = arith.constant 0 : i32
    %dma_start3A_268 = tpu.memref_slice %arg6[%dma_start3A_265, %dma_start3A_266, %dma_start3A_267] : memref<4x224x128xf32, #tpu.memory_space<vmem>> -> memref<1x224x128xf32, #tpu.memory_space<vmem>>
    %dma_start3A_269 = tpu.memref_squeeze %dma_start3A_268 : memref<1x224x128xf32, #tpu.memory_space<vmem>> -> memref<224x128xf32, #tpu.memory_space<vmem>>
    %dma_start3A_270 = arith.constant 0 : i32
    %dma_start3A_271 = tpu.memref_slice %arg4[%add3A_264, %dma_start3A_270] : memref<100000x128xf32, #tpu.memory_space<hbm>> -> memref<224x128xf32, #tpu.memory_space<hbm>>
    %dma_start3A_272 = arith.constant 0 : i32
    %dma_start3A_273 = tpu.memref_slice %arg4[%add3A_264, %dma_start3A_272] : memref<100000x128xf32, #tpu.memory_space<hbm>> -> memref<224x128xf32, #tpu.memory_space<hbm>>
    %dma_start3A_274 = arith.constant 0 : i32
    %dma_start3A_275 = arith.constant 0 : i32
    %dma_start3A_276 = tpu.memref_slice %arg6[%dma_start3A_265, %dma_start3A_274, %dma_start3A_275] : memref<4x224x128xf32, #tpu.memory_space<vmem>> -> memref<1x224x128xf32, #tpu.memory_space<vmem>>
    %dma_start3A_277 = tpu.memref_squeeze %dma_start3A_276 : memref<1x224x128xf32, #tpu.memory_space<vmem>> -> memref<224x128xf32, #tpu.memory_space<vmem>>
    tpu.enqueue_dma source(%dma_start3A_277 : memref<224x128xf32, #tpu.memory_space<vmem>>) target(%dma_start3A_273 : memref<224x128xf32, #tpu.memory_space<hbm>>) target_semaphore(%arg12 : memref<!tpu.dma_semaphore, #tpu.memory_space<semaphore_mem>>)
    %dma_wait3A_278 = arith.constant 3 : i32
    %dma_wait3A_279 = arith.constant 0 : i32
    %dma_wait3A_280 = arith.constant 0 : i32
    %dma_wait3A_281 = tpu.memref_slice %arg6[%dma_wait3A_278, %dma_wait3A_279, %dma_wait3A_280] : memref<4x224x128xf32, #tpu.memory_space<vmem>> -> memref<1x224x128xf32, #tpu.memory_space<vmem>>
    %dma_wait3A_282 = tpu.memref_squeeze %dma_wait3A_281 : memref<1x224x128xf32, #tpu.memory_space<vmem>> -> memref<224x128xf32, #tpu.memory_space<vmem>>
    %dma_wait3A_283 = arith.constant 0 : i32
    %dma_wait3A_284 = tpu.memref_slice %arg4[%add3A_168, %dma_wait3A_283] : memref<100000x128xf32, #tpu.memory_space<hbm>> -> memref<224x128xf32, #tpu.memory_space<hbm>>
    %dma_wait3A_285 = arith.constant 0 : i32
    %dma_wait3A_286 = tpu.memref_slice %arg4[%add3A_168, %dma_wait3A_285] : memref<100000x128xf32, #tpu.memory_space<hbm>> -> memref<224x128xf32, #tpu.memory_space<hbm>>
    %dma_wait3A_287 = arith.constant 0 : i32
    %dma_wait3A_288 = arith.constant 0 : i32
    %dma_wait3A_289 = tpu.memref_slice %arg6[%dma_wait3A_278, %dma_wait3A_287, %dma_wait3A_288] : memref<4x224x128xf32, #tpu.memory_space<vmem>> -> memref<1x224x128xf32, #tpu.memory_space<vmem>>
    %dma_wait3A_290 = tpu.memref_squeeze %dma_wait3A_289 : memref<1x224x128xf32, #tpu.memory_space<vmem>> -> memref<224x128xf32, #tpu.memory_space<vmem>>
    tpu.wait_dma2 semaphore(%arg14 : memref<!tpu.dma_semaphore, #tpu.memory_space<semaphore_mem>>) src(%dma_wait3A_290 : memref<224x128xf32, #tpu.memory_space<vmem>>) dst(%dma_wait3A_286 : memref<224x128xf32, #tpu.memory_space<hbm>>)
    %dma_start3A_291 = arith.constant 3 : i32
    %dma_start3A_292 = arith.constant 0 : i32
    %dma_start3A_293 = arith.constant 0 : i32
    %dma_start3A_294 = tpu.memref_slice %arg6[%dma_start3A_291, %dma_start3A_292, %dma_start3A_293] : memref<4x224x128xf32, #tpu.memory_space<vmem>> -> memref<1x224x128xf32, #tpu.memory_space<vmem>>
    %dma_start3A_295 = tpu.memref_squeeze %dma_start3A_294 : memref<1x224x128xf32, #tpu.memory_space<vmem>> -> memref<224x128xf32, #tpu.memory_space<vmem>>
    %dma_start3A_296 = arith.constant 1568 : i32
    %dma_start3A_297 = tpu.memref_slice %arg5[%dma_start3A_296] : memref<3136xi32, #tpu.memory_space<vmem>> -> memref<224xi32, #tpu.memory_space<vmem>>
    %dma_start3A_298 = arith.constant 0 : i32
    %dma_start3A_299 = arith.constant 0 : i32
    %dma_start3A_300 = tpu.memref_slice %arg2[%dma_start3A_298, %dma_start3A_299] : memref<100000x128xf32, #tpu.memory_space<hbm>> -> memref<100000x128xf32, #tpu.memory_space<hbm>>
    tpu.enqueue_indirect_dma source(%dma_start3A_300 : memref<100000x128xf32, #tpu.memory_space<hbm>>) target(%dma_start3A_295 : memref<224x128xf32, #tpu.memory_space<vmem>>) offsets(%dma_start3A_297 : memref<224xi32, #tpu.memory_space<vmem>>) semaphore(%arg10 : memref<!tpu.dma_semaphore, #tpu.memory_space<semaphore_mem>>)
    %dma_wait3A_301 = arith.constant 2 : i32
    %dma_wait3A_302 = arith.constant 0 : i32
    %dma_wait3A_303 = arith.constant 0 : i32
    %dma_wait3A_304 = tpu.memref_slice %arg6[%dma_wait3A_301, %dma_wait3A_302, %dma_wait3A_303] : memref<4x224x128xf32, #tpu.memory_space<vmem>> -> memref<1x224x128xf32, #tpu.memory_space<vmem>>
    %dma_wait3A_305 = tpu.memref_squeeze %dma_wait3A_304 : memref<1x224x128xf32, #tpu.memory_space<vmem>> -> memref<224x128xf32, #tpu.memory_space<vmem>>
    %dma_wait3A_306 = arith.constant 1344 : i32
    %dma_wait3A_307 = tpu.memref_slice %arg5[%dma_wait3A_306] : memref<3136xi32, #tpu.memory_space<vmem>> -> memref<224xi32, #tpu.memory_space<vmem>>
    %dma_wait3A_308 = arith.constant 0 : i32
    %dma_wait3A_309 = arith.constant 0 : i32
    %dma_wait3A_310 = tpu.memref_slice %arg2[%dma_wait3A_308, %dma_wait3A_309] : memref<100000x128xf32, #tpu.memory_space<hbm>> -> memref<100000x128xf32, #tpu.memory_space<hbm>>
    tpu.wait_indirect_dma semaphore(%arg9 : memref<!tpu.dma_semaphore, #tpu.memory_space<semaphore_mem>>) src(%dma_wait3A_310 : memref<100000x128xf32, #tpu.memory_space<hbm>>) dst(%dma_wait3A_305 : memref<224x128xf32, #tpu.memory_space<vmem>>)
    %add3A_311 = arith.constant 1344 : i32
    %add3A_312 = arith.addi %multiple_of3A, %add3A_311 : i32
    %dma_start3A_313 = arith.constant 2 : i32
    %dma_start3A_314 = arith.constant 0 : i32
    %dma_start3A_315 = arith.constant 0 : i32
    %dma_start3A_316 = tpu.memref_slice %arg6[%dma_start3A_313, %dma_start3A_314, %dma_start3A_315] : memref<4x224x128xf32, #tpu.memory_space<vmem>> -> memref<1x224x128xf32, #tpu.memory_space<vmem>>
    %dma_start3A_317 = tpu.memref_squeeze %dma_start3A_316 : memref<1x224x128xf32, #tpu.memory_space<vmem>> -> memref<224x128xf32, #tpu.memory_space<vmem>>
    %dma_start3A_318 = arith.constant 0 : i32
    %dma_start3A_319 = tpu.memref_slice %arg4[%add3A_312, %dma_start3A_318] : memref<100000x128xf32, #tpu.memory_space<hbm>> -> memref<224x128xf32, #tpu.memory_space<hbm>>
    %dma_start3A_320 = arith.constant 0 : i32
    %dma_start3A_321 = tpu.memref_slice %arg4[%add3A_312, %dma_start3A_320] : memref<100000x128xf32, #tpu.memory_space<hbm>> -> memref<224x128xf32, #tpu.memory_space<hbm>>
    %dma_start3A_322 = arith.constant 0 : i32
    %dma_start3A_323 = arith.constant 0 : i32
    %dma_start3A_324 = tpu.memref_slice %arg6[%dma_start3A_313, %dma_start3A_322, %dma_start3A_323] : memref<4x224x128xf32, #tpu.memory_space<vmem>> -> memref<1x224x128xf32, #tpu.memory_space<vmem>>
    %dma_start3A_325 = tpu.memref_squeeze %dma_start3A_324 : memref<1x224x128xf32, #tpu.memory_space<vmem>> -> memref<224x128xf32, #tpu.memory_space<vmem>>
    tpu.enqueue_dma source(%dma_start3A_325 : memref<224x128xf32, #tpu.memory_space<vmem>>) target(%dma_start3A_321 : memref<224x128xf32, #tpu.memory_space<hbm>>) target_semaphore(%arg13 : memref<!tpu.dma_semaphore, #tpu.memory_space<semaphore_mem>>)
    %dma_wait3A_326 = arith.constant 0 : i32
    %dma_wait3A_327 = arith.constant 0 : i32
    %dma_wait3A_328 = arith.constant 0 : i32
    %dma_wait3A_329 = tpu.memref_slice %arg6[%dma_wait3A_326, %dma_wait3A_327, %dma_wait3A_328] : memref<4x224x128xf32, #tpu.memory_space<vmem>> -> memref<1x224x128xf32, #tpu.memory_space<vmem>>
    %dma_wait3A_330 = tpu.memref_squeeze %dma_wait3A_329 : memref<1x224x128xf32, #tpu.memory_space<vmem>> -> memref<224x128xf32, #tpu.memory_space<vmem>>
    %dma_wait3A_331 = arith.constant 0 : i32
    %dma_wait3A_332 = tpu.memref_slice %arg4[%add3A_216, %dma_wait3A_331] : memref<100000x128xf32, #tpu.memory_space<hbm>> -> memref<224x128xf32, #tpu.memory_space<hbm>>
    %dma_wait3A_333 = arith.constant 0 : i32
    %dma_wait3A_334 = tpu.memref_slice %arg4[%add3A_216, %dma_wait3A_333] : memref<100000x128xf32, #tpu.memory_space<hbm>> -> memref<224x128xf32, #tpu.memory_space<hbm>>
    %dma_wait3A_335 = arith.constant 0 : i32
    %dma_wait3A_336 = arith.constant 0 : i32
    %dma_wait3A_337 = tpu.memref_slice %arg6[%dma_wait3A_326, %dma_wait3A_335, %dma_wait3A_336] : memref<4x224x128xf32, #tpu.memory_space<vmem>> -> memref<1x224x128xf32, #tpu.memory_space<vmem>>
    %dma_wait3A_338 = tpu.memref_squeeze %dma_wait3A_337 : memref<1x224x128xf32, #tpu.memory_space<vmem>> -> memref<224x128xf32, #tpu.memory_space<vmem>>
    tpu.wait_dma2 semaphore(%arg11 : memref<!tpu.dma_semaphore, #tpu.memory_space<semaphore_mem>>) src(%dma_wait3A_338 : memref<224x128xf32, #tpu.memory_space<vmem>>) dst(%dma_wait3A_334 : memref<224x128xf32, #tpu.memory_space<hbm>>)
    %dma_start3A_339 = arith.constant 0 : i32
    %dma_start3A_340 = arith.constant 0 : i32
    %dma_start3A_341 = arith.constant 0 : i32
    %dma_start3A_342 = tpu.memref_slice %arg6[%dma_start3A_339, %dma_start3A_340, %dma_start3A_341] : memref<4x224x128xf32, #tpu.memory_space<vmem>> -> memref<1x224x128xf32, #tpu.memory_space<vmem>>
    %dma_start3A_343 = tpu.memref_squeeze %dma_start3A_342 : memref<1x224x128xf32, #tpu.memory_space<vmem>> -> memref<224x128xf32, #tpu.memory_space<vmem>>
    %dma_start3A_344 = arith.constant 1792 : i32
    %dma_start3A_345 = tpu.memref_slice %arg5[%dma_start3A_344] : memref<3136xi32, #tpu.memory_space<vmem>> -> memref<224xi32, #tpu.memory_space<vmem>>
    %dma_start3A_346 = arith.constant 0 : i32
    %dma_start3A_347 = arith.constant 0 : i32
    %dma_start3A_348 = tpu.memref_slice %arg2[%dma_start3A_346, %dma_start3A_347] : memref<100000x128xf32, #tpu.memory_space<hbm>> -> memref<100000x128xf32, #tpu.memory_space<hbm>>
    tpu.enqueue_indirect_dma source(%dma_start3A_348 : memref<100000x128xf32, #tpu.memory_space<hbm>>) target(%dma_start3A_343 : memref<224x128xf32, #tpu.memory_space<vmem>>) offsets(%dma_start3A_345 : memref<224xi32, #tpu.memory_space<vmem>>) semaphore(%arg7 : memref<!tpu.dma_semaphore, #tpu.memory_space<semaphore_mem>>)
    %dma_wait3A_349 = arith.constant 3 : i32
    %dma_wait3A_350 = arith.constant 0 : i32
    %dma_wait3A_351 = arith.constant 0 : i32
    %dma_wait3A_352 = tpu.memref_slice %arg6[%dma_wait3A_349, %dma_wait3A_350, %dma_wait3A_351] : memref<4x224x128xf32, #tpu.memory_space<vmem>> -> memref<1x224x128xf32, #tpu.memory_space<vmem>>
    %dma_wait3A_353 = tpu.memref_squeeze %dma_wait3A_352 : memref<1x224x128xf32, #tpu.memory_space<vmem>> -> memref<224x128xf32, #tpu.memory_space<vmem>>
    %dma_wait3A_354 = arith.constant 1568 : i32
    %dma_wait3A_355 = tpu.memref_slice %arg5[%dma_wait3A_354] : memref<3136xi32, #tpu.memory_space<vmem>> -> memref<224xi32, #tpu.memory_space<vmem>>
    %dma_wait3A_356 = arith.constant 0 : i32
    %dma_wait3A_357 = arith.constant 0 : i32
    %dma_wait3A_358 = tpu.memref_slice %arg2[%dma_wait3A_356, %dma_wait3A_357] : memref<100000x128xf32, #tpu.memory_space<hbm>> -> memref<100000x128xf32, #tpu.memory_space<hbm>>
    tpu.wait_indirect_dma semaphore(%arg10 : memref<!tpu.dma_semaphore, #tpu.memory_space<semaphore_mem>>) src(%dma_wait3A_358 : memref<100000x128xf32, #tpu.memory_space<hbm>>) dst(%dma_wait3A_353 : memref<224x128xf32, #tpu.memory_space<vmem>>)
    %add3A_359 = arith.constant 1568 : i32
    %add3A_360 = arith.addi %multiple_of3A, %add3A_359 : i32
    %dma_start3A_361 = arith.constant 3 : i32
    %dma_start3A_362 = arith.constant 0 : i32
    %dma_start3A_363 = arith.constant 0 : i32
    %dma_start3A_364 = tpu.memref_slice %arg6[%dma_start3A_361, %dma_start3A_362, %dma_start3A_363] : memref<4x224x128xf32, #tpu.memory_space<vmem>> -> memref<1x224x128xf32, #tpu.memory_space<vmem>>
    %dma_start3A_365 = tpu.memref_squeeze %dma_start3A_364 : memref<1x224x128xf32, #tpu.memory_space<vmem>> -> memref<224x128xf32, #tpu.memory_space<vmem>>
    %dma_start3A_366 = arith.constant 0 : i32
    %dma_start3A_367 = tpu.memref_slice %arg4[%add3A_360, %dma_start3A_366] : memref<100000x128xf32, #tpu.memory_space<hbm>> -> memref<224x128xf32, #tpu.memory_space<hbm>>
    %dma_start3A_368 = arith.constant 0 : i32
    %dma_start3A_369 = tpu.memref_slice %arg4[%add3A_360, %dma_start3A_368] : memref<100000x128xf32, #tpu.memory_space<hbm>> -> memref<224x128xf32, #tpu.memory_space<hbm>>
    %dma_start3A_370 = arith.constant 0 : i32
    %dma_start3A_371 = arith.constant 0 : i32
    %dma_start3A_372 = tpu.memref_slice %arg6[%dma_start3A_361, %dma_start3A_370, %dma_start3A_371] : memref<4x224x128xf32, #tpu.memory_space<vmem>> -> memref<1x224x128xf32, #tpu.memory_space<vmem>>
    %dma_start3A_373 = tpu.memref_squeeze %dma_start3A_372 : memref<1x224x128xf32, #tpu.memory_space<vmem>> -> memref<224x128xf32, #tpu.memory_space<vmem>>
    tpu.enqueue_dma source(%dma_start3A_373 : memref<224x128xf32, #tpu.memory_space<vmem>>) target(%dma_start3A_369 : memref<224x128xf32, #tpu.memory_space<hbm>>) target_semaphore(%arg14 : memref<!tpu.dma_semaphore, #tpu.memory_space<semaphore_mem>>)
    %dma_wait3A_374 = arith.constant 1 : i32
    %dma_wait3A_375 = arith.constant 0 : i32
    %dma_wait3A_376 = arith.constant 0 : i32
    %dma_wait3A_377 = tpu.memref_slice %arg6[%dma_wait3A_374, %dma_wait3A_375, %dma_wait3A_376] : memref<4x224x128xf32, #tpu.memory_space<vmem>> -> memref<1x224x128xf32, #tpu.memory_space<vmem>>
    %dma_wait3A_378 = tpu.memref_squeeze %dma_wait3A_377 : memref<1x224x128xf32, #tpu.memory_space<vmem>> -> memref<224x128xf32, #tpu.memory_space<vmem>>
    %dma_wait3A_379 = arith.constant 0 : i32
    %dma_wait3A_380 = tpu.memref_slice %arg4[%add3A_264, %dma_wait3A_379] : memref<100000x128xf32, #tpu.memory_space<hbm>> -> memref<224x128xf32, #tpu.memory_space<hbm>>
    %dma_wait3A_381 = arith.constant 0 : i32
    %dma_wait3A_382 = tpu.memref_slice %arg4[%add3A_264, %dma_wait3A_381] : memref<100000x128xf32, #tpu.memory_space<hbm>> -> memref<224x128xf32, #tpu.memory_space<hbm>>
    %dma_wait3A_383 = arith.constant 0 : i32
    %dma_wait3A_384 = arith.constant 0 : i32
    %dma_wait3A_385 = tpu.memref_slice %arg6[%dma_wait3A_374, %dma_wait3A_383, %dma_wait3A_384] : memref<4x224x128xf32, #tpu.memory_space<vmem>> -> memref<1x224x128xf32, #tpu.memory_space<vmem>>
    %dma_wait3A_386 = tpu.memref_squeeze %dma_wait3A_385 : memref<1x224x128xf32, #tpu.memory_space<vmem>> -> memref<224x128xf32, #tpu.memory_space<vmem>>
    tpu.wait_dma2 semaphore(%arg12 : memref<!tpu.dma_semaphore, #tpu.memory_space<semaphore_mem>>) src(%dma_wait3A_386 : memref<224x128xf32, #tpu.memory_space<vmem>>) dst(%dma_wait3A_382 : memref<224x128xf32, #tpu.memory_space<hbm>>)
    %dma_start3A_387 = arith.constant 1 : i32
    %dma_start3A_388 = arith.constant 0 : i32
    %dma_start3A_389 = arith.constant 0 : i32
    %dma_start3A_390 = tpu.memref_slice %arg6[%dma_start3A_387, %dma_start3A_388, %dma_start3A_389] : memref<4x224x128xf32, #tpu.memory_space<vmem>> -> memref<1x224x128xf32, #tpu.memory_space<vmem>>
    %dma_start3A_391 = tpu.memref_squeeze %dma_start3A_390 : memref<1x224x128xf32, #tpu.memory_space<vmem>> -> memref<224x128xf32, #tpu.memory_space<vmem>>
    %dma_start3A_392 = arith.constant 2016 : i32
    %dma_start3A_393 = tpu.memref_slice %arg5[%dma_start3A_392] : memref<3136xi32, #tpu.memory_space<vmem>> -> memref<224xi32, #tpu.memory_space<vmem>>
    %dma_start3A_394 = arith.constant 0 : i32
    %dma_start3A_395 = arith.constant 0 : i32
    %dma_start3A_396 = tpu.memref_slice %arg2[%dma_start3A_394, %dma_start3A_395] : memref<100000x128xf32, #tpu.memory_space<hbm>> -> memref<100000x128xf32, #tpu.memory_space<hbm>>
    tpu.enqueue_indirect_dma source(%dma_start3A_396 : memref<100000x128xf32, #tpu.memory_space<hbm>>) target(%dma_start3A_391 : memref<224x128xf32, #tpu.memory_space<vmem>>) offsets(%dma_start3A_393 : memref<224xi32, #tpu.memory_space<vmem>>) semaphore(%arg8 : memref<!tpu.dma_semaphore, #tpu.memory_space<semaphore_mem>>)
    %dma_wait3A_397 = arith.constant 0 : i32
    %dma_wait3A_398 = arith.constant 0 : i32
    %dma_wait3A_399 = arith.constant 0 : i32
    %dma_wait3A_400 = tpu.memref_slice %arg6[%dma_wait3A_397, %dma_wait3A_398, %dma_wait3A_399] : memref<4x224x128xf32, #tpu.memory_space<vmem>> -> memref<1x224x128xf32, #tpu.memory_space<vmem>>
    %dma_wait3A_401 = tpu.memref_squeeze %dma_wait3A_400 : memref<1x224x128xf32, #tpu.memory_space<vmem>> -> memref<224x128xf32, #tpu.memory_space<vmem>>
    %dma_wait3A_402 = arith.constant 1792 : i32
    %dma_wait3A_403 = tpu.memref_slice %arg5[%dma_wait3A_402] : memref<3136xi32, #tpu.memory_space<vmem>> -> memref<224xi32, #tpu.memory_space<vmem>>
    %dma_wait3A_404 = arith.constant 0 : i32
    %dma_wait3A_405 = arith.constant 0 : i32
    %dma_wait3A_406 = tpu.memref_slice %arg2[%dma_wait3A_404, %dma_wait3A_405] : memref<100000x128xf32, #tpu.memory_space<hbm>> -> memref<100000x128xf32, #tpu.memory_space<hbm>>
    tpu.wait_indirect_dma semaphore(%arg7 : memref<!tpu.dma_semaphore, #tpu.memory_space<semaphore_mem>>) src(%dma_wait3A_406 : memref<100000x128xf32, #tpu.memory_space<hbm>>) dst(%dma_wait3A_401 : memref<224x128xf32, #tpu.memory_space<vmem>>)
    %add3A_407 = arith.constant 1792 : i32
    %add3A_408 = arith.addi %multiple_of3A, %add3A_407 : i32
    %dma_start3A_409 = arith.constant 0 : i32
    %dma_start3A_410 = arith.constant 0 : i32
    %dma_start3A_411 = arith.constant 0 : i32
    %dma_start3A_412 = tpu.memref_slice %arg6[%dma_start3A_409, %dma_start3A_410, %dma_start3A_411] : memref<4x224x128xf32, #tpu.memory_space<vmem>> -> memref<1x224x128xf32, #tpu.memory_space<vmem>>
    %dma_start3A_413 = tpu.memref_squeeze %dma_start3A_412 : memref<1x224x128xf32, #tpu.memory_space<vmem>> -> memref<224x128xf32, #tpu.memory_space<vmem>>
    %dma_start3A_414 = arith.constant 0 : i32
    %dma_start3A_415 = tpu.memref_slice %arg4[%add3A_408, %dma_start3A_414] : memref<100000x128xf32, #tpu.memory_space<hbm>> -> memref<224x128xf32, #tpu.memory_space<hbm>>
    %dma_start3A_416 = arith.constant 0 : i32
    %dma_start3A_417 = tpu.memref_slice %arg4[%add3A_408, %dma_start3A_416] : memref<100000x128xf32, #tpu.memory_space<hbm>> -> memref<224x128xf32, #tpu.memory_space<hbm>>
    %dma_start3A_418 = arith.constant 0 : i32
    %dma_start3A_419 = arith.constant 0 : i32
    %dma_start3A_420 = tpu.memref_slice %arg6[%dma_start3A_409, %dma_start3A_418, %dma_start3A_419] : memref<4x224x128xf32, #tpu.memory_space<vmem>> -> memref<1x224x128xf32, #tpu.memory_space<vmem>>
    %dma_start3A_421 = tpu.memref_squeeze %dma_start3A_420 : memref<1x224x128xf32, #tpu.memory_space<vmem>> -> memref<224x128xf32, #tpu.memory_space<vmem>>
    tpu.enqueue_dma source(%dma_start3A_421 : memref<224x128xf32, #tpu.memory_space<vmem>>) target(%dma_start3A_417 : memref<224x128xf32, #tpu.memory_space<hbm>>) target_semaphore(%arg11 : memref<!tpu.dma_semaphore, #tpu.memory_space<semaphore_mem>>)
    %dma_wait3A_422 = arith.constant 2 : i32
    %dma_wait3A_423 = arith.constant 0 : i32
    %dma_wait3A_424 = arith.constant 0 : i32
    %dma_wait3A_425 = tpu.memref_slice %arg6[%dma_wait3A_422, %dma_wait3A_423, %dma_wait3A_424] : memref<4x224x128xf32, #tpu.memory_space<vmem>> -> memref<1x224x128xf32, #tpu.memory_space<vmem>>
    %dma_wait3A_426 = tpu.memref_squeeze %dma_wait3A_425 : memref<1x224x128xf32, #tpu.memory_space<vmem>> -> memref<224x128xf32, #tpu.memory_space<vmem>>
    %dma_wait3A_427 = arith.constant 0 : i32
    %dma_wait3A_428 = tpu.memref_slice %arg4[%add3A_312, %dma_wait3A_427] : memref<100000x128xf32, #tpu.memory_space<hbm>> -> memref<224x128xf32, #tpu.memory_space<hbm>>
    %dma_wait3A_429 = arith.constant 0 : i32
    %dma_wait3A_430 = tpu.memref_slice %arg4[%add3A_312, %dma_wait3A_429] : memref<100000x128xf32, #tpu.memory_space<hbm>> -> memref<224x128xf32, #tpu.memory_space<hbm>>
    %dma_wait3A_431 = arith.constant 0 : i32
    %dma_wait3A_432 = arith.constant 0 : i32
    %dma_wait3A_433 = tpu.memref_slice %arg6[%dma_wait3A_422, %dma_wait3A_431, %dma_wait3A_432] : memref<4x224x128xf32, #tpu.memory_space<vmem>> -> memref<1x224x128xf32, #tpu.memory_space<vmem>>
    %dma_wait3A_434 = tpu.memref_squeeze %dma_wait3A_433 : memref<1x224x128xf32, #tpu.memory_space<vmem>> -> memref<224x128xf32, #tpu.memory_space<vmem>>
    tpu.wait_dma2 semaphore(%arg13 : memref<!tpu.dma_semaphore, #tpu.memory_space<semaphore_mem>>) src(%dma_wait3A_434 : memref<224x128xf32, #tpu.memory_space<vmem>>) dst(%dma_wait3A_430 : memref<224x128xf32, #tpu.memory_space<hbm>>)
    %dma_start3A_435 = arith.constant 2 : i32
    %dma_start3A_436 = arith.constant 0 : i32
    %dma_start3A_437 = arith.constant 0 : i32
    %dma_start3A_438 = tpu.memref_slice %arg6[%dma_start3A_435, %dma_start3A_436, %dma_start3A_437] : memref<4x224x128xf32, #tpu.memory_space<vmem>> -> memref<1x224x128xf32, #tpu.memory_space<vmem>>
    %dma_start3A_439 = tpu.memref_squeeze %dma_start3A_438 : memref<1x224x128xf32, #tpu.memory_space<vmem>> -> memref<224x128xf32, #tpu.memory_space<vmem>>
    %dma_start3A_440 = arith.constant 2240 : i32
    %dma_start3A_441 = tpu.memref_slice %arg5[%dma_start3A_440] : memref<3136xi32, #tpu.memory_space<vmem>> -> memref<224xi32, #tpu.memory_space<vmem>>
    %dma_start3A_442 = arith.constant 0 : i32
    %dma_start3A_443 = arith.constant 0 : i32
    %dma_start3A_444 = tpu.memref_slice %arg2[%dma_start3A_442, %dma_start3A_443] : memref<100000x128xf32, #tpu.memory_space<hbm>> -> memref<100000x128xf32, #tpu.memory_space<hbm>>
    tpu.enqueue_indirect_dma source(%dma_start3A_444 : memref<100000x128xf32, #tpu.memory_space<hbm>>) target(%dma_start3A_439 : memref<224x128xf32, #tpu.memory_space<vmem>>) offsets(%dma_start3A_441 : memref<224xi32, #tpu.memory_space<vmem>>) semaphore(%arg9 : memref<!tpu.dma_semaphore, #tpu.memory_space<semaphore_mem>>)
    %dma_wait3A_445 = arith.constant 1 : i32
    %dma_wait3A_446 = arith.constant 0 : i32
    %dma_wait3A_447 = arith.constant 0 : i32
    %dma_wait3A_448 = tpu.memref_slice %arg6[%dma_wait3A_445, %dma_wait3A_446, %dma_wait3A_447] : memref<4x224x128xf32, #tpu.memory_space<vmem>> -> memref<1x224x128xf32, #tpu.memory_space<vmem>>
    %dma_wait3A_449 = tpu.memref_squeeze %dma_wait3A_448 : memref<1x224x128xf32, #tpu.memory_space<vmem>> -> memref<224x128xf32, #tpu.memory_space<vmem>>
    %dma_wait3A_450 = arith.constant 2016 : i32
    %dma_wait3A_451 = tpu.memref_slice %arg5[%dma_wait3A_450] : memref<3136xi32, #tpu.memory_space<vmem>> -> memref<224xi32, #tpu.memory_space<vmem>>
    %dma_wait3A_452 = arith.constant 0 : i32
    %dma_wait3A_453 = arith.constant 0 : i32
    %dma_wait3A_454 = tpu.memref_slice %arg2[%dma_wait3A_452, %dma_wait3A_453] : memref<100000x128xf32, #tpu.memory_space<hbm>> -> memref<100000x128xf32, #tpu.memory_space<hbm>>
    tpu.wait_indirect_dma semaphore(%arg8 : memref<!tpu.dma_semaphore, #tpu.memory_space<semaphore_mem>>) src(%dma_wait3A_454 : memref<100000x128xf32, #tpu.memory_space<hbm>>) dst(%dma_wait3A_449 : memref<224x128xf32, #tpu.memory_space<vmem>>)
    %add3A_455 = arith.constant 2016 : i32
    %add3A_456 = arith.addi %multiple_of3A, %add3A_455 : i32
    %dma_start3A_457 = arith.constant 1 : i32
    %dma_start3A_458 = arith.constant 0 : i32
    %dma_start3A_459 = arith.constant 0 : i32
    %dma_start3A_460 = tpu.memref_slice %arg6[%dma_start3A_457, %dma_start3A_458, %dma_start3A_459] : memref<4x224x128xf32, #tpu.memory_space<vmem>> -> memref<1x224x128xf32, #tpu.memory_space<vmem>>
    %dma_start3A_461 = tpu.memref_squeeze %dma_start3A_460 : memref<1x224x128xf32, #tpu.memory_space<vmem>> -> memref<224x128xf32, #tpu.memory_space<vmem>>
    %dma_start3A_462 = arith.constant 0 : i32
    %dma_start3A_463 = tpu.memref_slice %arg4[%add3A_456, %dma_start3A_462] : memref<100000x128xf32, #tpu.memory_space<hbm>> -> memref<224x128xf32, #tpu.memory_space<hbm>>
    %dma_start3A_464 = arith.constant 0 : i32
    %dma_start3A_465 = tpu.memref_slice %arg4[%add3A_456, %dma_start3A_464] : memref<100000x128xf32, #tpu.memory_space<hbm>> -> memref<224x128xf32, #tpu.memory_space<hbm>>
    %dma_start3A_466 = arith.constant 0 : i32
    %dma_start3A_467 = arith.constant 0 : i32
    %dma_start3A_468 = tpu.memref_slice %arg6[%dma_start3A_457, %dma_start3A_466, %dma_start3A_467] : memref<4x224x128xf32, #tpu.memory_space<vmem>> -> memref<1x224x128xf32, #tpu.memory_space<vmem>>
    %dma_start3A_469 = tpu.memref_squeeze %dma_start3A_468 : memref<1x224x128xf32, #tpu.memory_space<vmem>> -> memref<224x128xf32, #tpu.memory_space<vmem>>
    tpu.enqueue_dma source(%dma_start3A_469 : memref<224x128xf32, #tpu.memory_space<vmem>>) target(%dma_start3A_465 : memref<224x128xf32, #tpu.memory_space<hbm>>) target_semaphore(%arg12 : memref<!tpu.dma_semaphore, #tpu.memory_space<semaphore_mem>>)
    %dma_wait3A_470 = arith.constant 3 : i32
    %dma_wait3A_471 = arith.constant 0 : i32
    %dma_wait3A_472 = arith.constant 0 : i32
    %dma_wait3A_473 = tpu.memref_slice %arg6[%dma_wait3A_470, %dma_wait3A_471, %dma_wait3A_472] : memref<4x224x128xf32, #tpu.memory_space<vmem>> -> memref<1x224x128xf32, #tpu.memory_space<vmem>>
    %dma_wait3A_474 = tpu.memref_squeeze %dma_wait3A_473 : memref<1x224x128xf32, #tpu.memory_space<vmem>> -> memref<224x128xf32, #tpu.memory_space<vmem>>
    %dma_wait3A_475 = arith.constant 0 : i32
    %dma_wait3A_476 = tpu.memref_slice %arg4[%add3A_360, %dma_wait3A_475] : memref<100000x128xf32, #tpu.memory_space<hbm>> -> memref<224x128xf32, #tpu.memory_space<hbm>>
    %dma_wait3A_477 = arith.constant 0 : i32
    %dma_wait3A_478 = tpu.memref_slice %arg4[%add3A_360, %dma_wait3A_477] : memref<100000x128xf32, #tpu.memory_space<hbm>> -> memref<224x128xf32, #tpu.memory_space<hbm>>
    %dma_wait3A_479 = arith.constant 0 : i32
    %dma_wait3A_480 = arith.constant 0 : i32
    %dma_wait3A_481 = tpu.memref_slice %arg6[%dma_wait3A_470, %dma_wait3A_479, %dma_wait3A_480] : memref<4x224x128xf32, #tpu.memory_space<vmem>> -> memref<1x224x128xf32, #tpu.memory_space<vmem>>
    %dma_wait3A_482 = tpu.memref_squeeze %dma_wait3A_481 : memref<1x224x128xf32, #tpu.memory_space<vmem>> -> memref<224x128xf32, #tpu.memory_space<vmem>>
    tpu.wait_dma2 semaphore(%arg14 : memref<!tpu.dma_semaphore, #tpu.memory_space<semaphore_mem>>) src(%dma_wait3A_482 : memref<224x128xf32, #tpu.memory_space<vmem>>) dst(%dma_wait3A_478 : memref<224x128xf32, #tpu.memory_space<hbm>>)
    %dma_start3A_483 = arith.constant 3 : i32
    %dma_start3A_484 = arith.constant 0 : i32
    %dma_start3A_485 = arith.constant 0 : i32
    %dma_start3A_486 = tpu.memref_slice %arg6[%dma_start3A_483, %dma_start3A_484, %dma_start3A_485] : memref<4x224x128xf32, #tpu.memory_space<vmem>> -> memref<1x224x128xf32, #tpu.memory_space<vmem>>
    %dma_start3A_487 = tpu.memref_squeeze %dma_start3A_486 : memref<1x224x128xf32, #tpu.memory_space<vmem>> -> memref<224x128xf32, #tpu.memory_space<vmem>>
    %dma_start3A_488 = arith.constant 2464 : i32
    %dma_start3A_489 = tpu.memref_slice %arg5[%dma_start3A_488] : memref<3136xi32, #tpu.memory_space<vmem>> -> memref<224xi32, #tpu.memory_space<vmem>>
    %dma_start3A_490 = arith.constant 0 : i32
    %dma_start3A_491 = arith.constant 0 : i32
    %dma_start3A_492 = tpu.memref_slice %arg2[%dma_start3A_490, %dma_start3A_491] : memref<100000x128xf32, #tpu.memory_space<hbm>> -> memref<100000x128xf32, #tpu.memory_space<hbm>>
    tpu.enqueue_indirect_dma source(%dma_start3A_492 : memref<100000x128xf32, #tpu.memory_space<hbm>>) target(%dma_start3A_487 : memref<224x128xf32, #tpu.memory_space<vmem>>) offsets(%dma_start3A_489 : memref<224xi32, #tpu.memory_space<vmem>>) semaphore(%arg10 : memref<!tpu.dma_semaphore, #tpu.memory_space<semaphore_mem>>)
    %dma_wait3A_493 = arith.constant 2 : i32
    %dma_wait3A_494 = arith.constant 0 : i32
    %dma_wait3A_495 = arith.constant 0 : i32
    %dma_wait3A_496 = tpu.memref_slice %arg6[%dma_wait3A_493, %dma_wait3A_494, %dma_wait3A_495] : memref<4x224x128xf32, #tpu.memory_space<vmem>> -> memref<1x224x128xf32, #tpu.memory_space<vmem>>
    %dma_wait3A_497 = tpu.memref_squeeze %dma_wait3A_496 : memref<1x224x128xf32, #tpu.memory_space<vmem>> -> memref<224x128xf32, #tpu.memory_space<vmem>>
    %dma_wait3A_498 = arith.constant 2240 : i32
    %dma_wait3A_499 = tpu.memref_slice %arg5[%dma_wait3A_498] : memref<3136xi32, #tpu.memory_space<vmem>> -> memref<224xi32, #tpu.memory_space<vmem>>
    %dma_wait3A_500 = arith.constant 0 : i32
    %dma_wait3A_501 = arith.constant 0 : i32
    %dma_wait3A_502 = tpu.memref_slice %arg2[%dma_wait3A_500, %dma_wait3A_501] : memref<100000x128xf32, #tpu.memory_space<hbm>> -> memref<100000x128xf32, #tpu.memory_space<hbm>>
    tpu.wait_indirect_dma semaphore(%arg9 : memref<!tpu.dma_semaphore, #tpu.memory_space<semaphore_mem>>) src(%dma_wait3A_502 : memref<100000x128xf32, #tpu.memory_space<hbm>>) dst(%dma_wait3A_497 : memref<224x128xf32, #tpu.memory_space<vmem>>)
    %add3A_503 = arith.constant 2240 : i32
    %add3A_504 = arith.addi %multiple_of3A, %add3A_503 : i32
    %dma_start3A_505 = arith.constant 2 : i32
    %dma_start3A_506 = arith.constant 0 : i32
    %dma_start3A_507 = arith.constant 0 : i32
    %dma_start3A_508 = tpu.memref_slice %arg6[%dma_start3A_505, %dma_start3A_506, %dma_start3A_507] : memref<4x224x128xf32, #tpu.memory_space<vmem>> -> memref<1x224x128xf32, #tpu.memory_space<vmem>>
    %dma_start3A_509 = tpu.memref_squeeze %dma_start3A_508 : memref<1x224x128xf32, #tpu.memory_space<vmem>> -> memref<224x128xf32, #tpu.memory_space<vmem>>
    %dma_start3A_510 = arith.constant 0 : i32
    %dma_start3A_511 = tpu.memref_slice %arg4[%add3A_504, %dma_start3A_510] : memref<100000x128xf32, #tpu.memory_space<hbm>> -> memref<224x128xf32, #tpu.memory_space<hbm>>
    %dma_start3A_512 = arith.constant 0 : i32
    %dma_start3A_513 = tpu.memref_slice %arg4[%add3A_504, %dma_start3A_512] : memref<100000x128xf32, #tpu.memory_space<hbm>> -> memref<224x128xf32, #tpu.memory_space<hbm>>
    %dma_start3A_514 = arith.constant 0 : i32
    %dma_start3A_515 = arith.constant 0 : i32
    %dma_start3A_516 = tpu.memref_slice %arg6[%dma_start3A_505, %dma_start3A_514, %dma_start3A_515] : memref<4x224x128xf32, #tpu.memory_space<vmem>> -> memref<1x224x128xf32, #tpu.memory_space<vmem>>
    %dma_start3A_517 = tpu.memref_squeeze %dma_start3A_516 : memref<1x224x128xf32, #tpu.memory_space<vmem>> -> memref<224x128xf32, #tpu.memory_space<vmem>>
    tpu.enqueue_dma source(%dma_start3A_517 : memref<224x128xf32, #tpu.memory_space<vmem>>) target(%dma_start3A_513 : memref<224x128xf32, #tpu.memory_space<hbm>>) target_semaphore(%arg13 : memref<!tpu.dma_semaphore, #tpu.memory_space<semaphore_mem>>)
    %dma_wait3A_518 = arith.constant 0 : i32
    %dma_wait3A_519 = arith.constant 0 : i32
    %dma_wait3A_520 = arith.constant 0 : i32
    %dma_wait3A_521 = tpu.memref_slice %arg6[%dma_wait3A_518, %dma_wait3A_519, %dma_wait3A_520] : memref<4x224x128xf32, #tpu.memory_space<vmem>> -> memref<1x224x128xf32, #tpu.memory_space<vmem>>
    %dma_wait3A_522 = tpu.memref_squeeze %dma_wait3A_521 : memref<1x224x128xf32, #tpu.memory_space<vmem>> -> memref<224x128xf32, #tpu.memory_space<vmem>>
    %dma_wait3A_523 = arith.constant 0 : i32
    %dma_wait3A_524 = tpu.memref_slice %arg4[%add3A_408, %dma_wait3A_523] : memref<100000x128xf32, #tpu.memory_space<hbm>> -> memref<224x128xf32, #tpu.memory_space<hbm>>
    %dma_wait3A_525 = arith.constant 0 : i32
    %dma_wait3A_526 = tpu.memref_slice %arg4[%add3A_408, %dma_wait3A_525] : memref<100000x128xf32, #tpu.memory_space<hbm>> -> memref<224x128xf32, #tpu.memory_space<hbm>>
    %dma_wait3A_527 = arith.constant 0 : i32
    %dma_wait3A_528 = arith.constant 0 : i32
    %dma_wait3A_529 = tpu.memref_slice %arg6[%dma_wait3A_518, %dma_wait3A_527, %dma_wait3A_528] : memref<4x224x128xf32, #tpu.memory_space<vmem>> -> memref<1x224x128xf32, #tpu.memory_space<vmem>>
    %dma_wait3A_530 = tpu.memref_squeeze %dma_wait3A_529 : memref<1x224x128xf32, #tpu.memory_space<vmem>> -> memref<224x128xf32, #tpu.memory_space<vmem>>
    tpu.wait_dma2 semaphore(%arg11 : memref<!tpu.dma_semaphore, #tpu.memory_space<semaphore_mem>>) src(%dma_wait3A_530 : memref<224x128xf32, #tpu.memory_space<vmem>>) dst(%dma_wait3A_526 : memref<224x128xf32, #tpu.memory_space<hbm>>)
    %dma_start3A_531 = arith.constant 0 : i32
    %dma_start3A_532 = arith.constant 0 : i32
    %dma_start3A_533 = arith.constant 0 : i32
    %dma_start3A_534 = tpu.memref_slice %arg6[%dma_start3A_531, %dma_start3A_532, %dma_start3A_533] : memref<4x224x128xf32, #tpu.memory_space<vmem>> -> memref<1x224x128xf32, #tpu.memory_space<vmem>>
    %dma_start3A_535 = tpu.memref_squeeze %dma_start3A_534 : memref<1x224x128xf32, #tpu.memory_space<vmem>> -> memref<224x128xf32, #tpu.memory_space<vmem>>
    %dma_start3A_536 = arith.constant 2688 : i32
    %dma_start3A_537 = tpu.memref_slice %arg5[%dma_start3A_536] : memref<3136xi32, #tpu.memory_space<vmem>> -> memref<224xi32, #tpu.memory_space<vmem>>
    %dma_start3A_538 = arith.constant 0 : i32
    %dma_start3A_539 = arith.constant 0 : i32
    %dma_start3A_540 = tpu.memref_slice %arg2[%dma_start3A_538, %dma_start3A_539] : memref<100000x128xf32, #tpu.memory_space<hbm>> -> memref<100000x128xf32, #tpu.memory_space<hbm>>
    tpu.enqueue_indirect_dma source(%dma_start3A_540 : memref<100000x128xf32, #tpu.memory_space<hbm>>) target(%dma_start3A_535 : memref<224x128xf32, #tpu.memory_space<vmem>>) offsets(%dma_start3A_537 : memref<224xi32, #tpu.memory_space<vmem>>) semaphore(%arg7 : memref<!tpu.dma_semaphore, #tpu.memory_space<semaphore_mem>>)
    %dma_wait3A_541 = arith.constant 3 : i32
    %dma_wait3A_542 = arith.constant 0 : i32
    %dma_wait3A_543 = arith.constant 0 : i32
    %dma_wait3A_544 = tpu.memref_slice %arg6[%dma_wait3A_541, %dma_wait3A_542, %dma_wait3A_543] : memref<4x224x128xf32, #tpu.memory_space<vmem>> -> memref<1x224x128xf32, #tpu.memory_space<vmem>>
    %dma_wait3A_545 = tpu.memref_squeeze %dma_wait3A_544 : memref<1x224x128xf32, #tpu.memory_space<vmem>> -> memref<224x128xf32, #tpu.memory_space<vmem>>
    %dma_wait3A_546 = arith.constant 2464 : i32
    %dma_wait3A_547 = tpu.memref_slice %arg5[%dma_wait3A_546] : memref<3136xi32, #tpu.memory_space<vmem>> -> memref<224xi32, #tpu.memory_space<vmem>>
    %dma_wait3A_548 = arith.constant 0 : i32
    %dma_wait3A_549 = arith.constant 0 : i32
    %dma_wait3A_550 = tpu.memref_slice %arg2[%dma_wait3A_548, %dma_wait3A_549] : memref<100000x128xf32, #tpu.memory_space<hbm>> -> memref<100000x128xf32, #tpu.memory_space<hbm>>
    tpu.wait_indirect_dma semaphore(%arg10 : memref<!tpu.dma_semaphore, #tpu.memory_space<semaphore_mem>>) src(%dma_wait3A_550 : memref<100000x128xf32, #tpu.memory_space<hbm>>) dst(%dma_wait3A_545 : memref<224x128xf32, #tpu.memory_space<vmem>>)
    %add3A_551 = arith.constant 2464 : i32
    %add3A_552 = arith.addi %multiple_of3A, %add3A_551 : i32
    %dma_start3A_553 = arith.constant 3 : i32
    %dma_start3A_554 = arith.constant 0 : i32
    %dma_start3A_555 = arith.constant 0 : i32
    %dma_start3A_556 = tpu.memref_slice %arg6[%dma_start3A_553, %dma_start3A_554, %dma_start3A_555] : memref<4x224x128xf32, #tpu.memory_space<vmem>> -> memref<1x224x128xf32, #tpu.memory_space<vmem>>
    %dma_start3A_557 = tpu.memref_squeeze %dma_start3A_556 : memref<1x224x128xf32, #tpu.memory_space<vmem>> -> memref<224x128xf32, #tpu.memory_space<vmem>>
    %dma_start3A_558 = arith.constant 0 : i32
    %dma_start3A_559 = tpu.memref_slice %arg4[%add3A_552, %dma_start3A_558] : memref<100000x128xf32, #tpu.memory_space<hbm>> -> memref<224x128xf32, #tpu.memory_space<hbm>>
    %dma_start3A_560 = arith.constant 0 : i32
    %dma_start3A_561 = tpu.memref_slice %arg4[%add3A_552, %dma_start3A_560] : memref<100000x128xf32, #tpu.memory_space<hbm>> -> memref<224x128xf32, #tpu.memory_space<hbm>>
    %dma_start3A_562 = arith.constant 0 : i32
    %dma_start3A_563 = arith.constant 0 : i32
    %dma_start3A_564 = tpu.memref_slice %arg6[%dma_start3A_553, %dma_start3A_562, %dma_start3A_563] : memref<4x224x128xf32, #tpu.memory_space<vmem>> -> memref<1x224x128xf32, #tpu.memory_space<vmem>>
    %dma_start3A_565 = tpu.memref_squeeze %dma_start3A_564 : memref<1x224x128xf32, #tpu.memory_space<vmem>> -> memref<224x128xf32, #tpu.memory_space<vmem>>
    tpu.enqueue_dma source(%dma_start3A_565 : memref<224x128xf32, #tpu.memory_space<vmem>>) target(%dma_start3A_561 : memref<224x128xf32, #tpu.memory_space<hbm>>) target_semaphore(%arg14 : memref<!tpu.dma_semaphore, #tpu.memory_space<semaphore_mem>>)
    %dma_wait3A_566 = arith.constant 1 : i32
    %dma_wait3A_567 = arith.constant 0 : i32
    %dma_wait3A_568 = arith.constant 0 : i32
    %dma_wait3A_569 = tpu.memref_slice %arg6[%dma_wait3A_566, %dma_wait3A_567, %dma_wait3A_568] : memref<4x224x128xf32, #tpu.memory_space<vmem>> -> memref<1x224x128xf32, #tpu.memory_space<vmem>>
    %dma_wait3A_570 = tpu.memref_squeeze %dma_wait3A_569 : memref<1x224x128xf32, #tpu.memory_space<vmem>> -> memref<224x128xf32, #tpu.memory_space<vmem>>
    %dma_wait3A_571 = arith.constant 0 : i32
    %dma_wait3A_572 = tpu.memref_slice %arg4[%add3A_456, %dma_wait3A_571] : memref<100000x128xf32, #tpu.memory_space<hbm>> -> memref<224x128xf32, #tpu.memory_space<hbm>>
    %dma_wait3A_573 = arith.constant 0 : i32
    %dma_wait3A_574 = tpu.memref_slice %arg4[%add3A_456, %dma_wait3A_573] : memref<100000x128xf32, #tpu.memory_space<hbm>> -> memref<224x128xf32, #tpu.memory_space<hbm>>
    %dma_wait3A_575 = arith.constant 0 : i32
    %dma_wait3A_576 = arith.constant 0 : i32
    %dma_wait3A_577 = tpu.memref_slice %arg6[%dma_wait3A_566, %dma_wait3A_575, %dma_wait3A_576] : memref<4x224x128xf32, #tpu.memory_space<vmem>> -> memref<1x224x128xf32, #tpu.memory_space<vmem>>
    %dma_wait3A_578 = tpu.memref_squeeze %dma_wait3A_577 : memref<1x224x128xf32, #tpu.memory_space<vmem>> -> memref<224x128xf32, #tpu.memory_space<vmem>>
    tpu.wait_dma2 semaphore(%arg12 : memref<!tpu.dma_semaphore, #tpu.memory_space<semaphore_mem>>) src(%dma_wait3A_578 : memref<224x128xf32, #tpu.memory_space<vmem>>) dst(%dma_wait3A_574 : memref<224x128xf32, #tpu.memory_space<hbm>>)
    %dma_start3A_579 = arith.constant 1 : i32
    %dma_start3A_580 = arith.constant 0 : i32
    %dma_start3A_581 = arith.constant 0 : i32
    %dma_start3A_582 = tpu.memref_slice %arg6[%dma_start3A_579, %dma_start3A_580, %dma_start3A_581] : memref<4x224x128xf32, #tpu.memory_space<vmem>> -> memref<1x224x128xf32, #tpu.memory_space<vmem>>
    %dma_start3A_583 = tpu.memref_squeeze %dma_start3A_582 : memref<1x224x128xf32, #tpu.memory_space<vmem>> -> memref<224x128xf32, #tpu.memory_space<vmem>>
    %dma_start3A_584 = arith.constant 2912 : i32
    %dma_start3A_585 = tpu.memref_slice %arg5[%dma_start3A_584] : memref<3136xi32, #tpu.memory_space<vmem>> -> memref<224xi32, #tpu.memory_space<vmem>>
    %dma_start3A_586 = arith.constant 0 : i32
    %dma_start3A_587 = arith.constant 0 : i32
    %dma_start3A_588 = tpu.memref_slice %arg2[%dma_start3A_586, %dma_start3A_587] : memref<100000x128xf32, #tpu.memory_space<hbm>> -> memref<100000x128xf32, #tpu.memory_space<hbm>>
    tpu.enqueue_indirect_dma source(%dma_start3A_588 : memref<100000x128xf32, #tpu.memory_space<hbm>>) target(%dma_start3A_583 : memref<224x128xf32, #tpu.memory_space<vmem>>) offsets(%dma_start3A_585 : memref<224xi32, #tpu.memory_space<vmem>>) semaphore(%arg8 : memref<!tpu.dma_semaphore, #tpu.memory_space<semaphore_mem>>)
    %dma_wait3A_589 = arith.constant 0 : i32
    %dma_wait3A_590 = arith.constant 0 : i32
    %dma_wait3A_591 = arith.constant 0 : i32
    %dma_wait3A_592 = tpu.memref_slice %arg6[%dma_wait3A_589, %dma_wait3A_590, %dma_wait3A_591] : memref<4x224x128xf32, #tpu.memory_space<vmem>> -> memref<1x224x128xf32, #tpu.memory_space<vmem>>
    %dma_wait3A_593 = tpu.memref_squeeze %dma_wait3A_592 : memref<1x224x128xf32, #tpu.memory_space<vmem>> -> memref<224x128xf32, #tpu.memory_space<vmem>>
    %dma_wait3A_594 = arith.constant 2688 : i32
    %dma_wait3A_595 = tpu.memref_slice %arg5[%dma_wait3A_594] : memref<3136xi32, #tpu.memory_space<vmem>> -> memref<224xi32, #tpu.memory_space<vmem>>
    %dma_wait3A_596 = arith.constant 0 : i32
    %dma_wait3A_597 = arith.constant 0 : i32
    %dma_wait3A_598 = tpu.memref_slice %arg2[%dma_wait3A_596, %dma_wait3A_597] : memref<100000x128xf32, #tpu.memory_space<hbm>> -> memref<100000x128xf32, #tpu.memory_space<hbm>>
    tpu.wait_indirect_dma semaphore(%arg7 : memref<!tpu.dma_semaphore, #tpu.memory_space<semaphore_mem>>) src(%dma_wait3A_598 : memref<100000x128xf32, #tpu.memory_space<hbm>>) dst(%dma_wait3A_593 : memref<224x128xf32, #tpu.memory_space<vmem>>)
    %add3A_599 = arith.constant 2688 : i32
    %add3A_600 = arith.addi %multiple_of3A, %add3A_599 : i32
    %dma_start3A_601 = arith.constant 0 : i32
    %dma_start3A_602 = arith.constant 0 : i32
    %dma_start3A_603 = arith.constant 0 : i32
    %dma_start3A_604 = tpu.memref_slice %arg6[%dma_start3A_601, %dma_start3A_602, %dma_start3A_603] : memref<4x224x128xf32, #tpu.memory_space<vmem>> -> memref<1x224x128xf32, #tpu.memory_space<vmem>>
    %dma_start3A_605 = tpu.memref_squeeze %dma_start3A_604 : memref<1x224x128xf32, #tpu.memory_space<vmem>> -> memref<224x128xf32, #tpu.memory_space<vmem>>
    %dma_start3A_606 = arith.constant 0 : i32
    %dma_start3A_607 = tpu.memref_slice %arg4[%add3A_600, %dma_start3A_606] : memref<100000x128xf32, #tpu.memory_space<hbm>> -> memref<224x128xf32, #tpu.memory_space<hbm>>
    %dma_start3A_608 = arith.constant 0 : i32
    %dma_start3A_609 = tpu.memref_slice %arg4[%add3A_600, %dma_start3A_608] : memref<100000x128xf32, #tpu.memory_space<hbm>> -> memref<224x128xf32, #tpu.memory_space<hbm>>
    %dma_start3A_610 = arith.constant 0 : i32
    %dma_start3A_611 = arith.constant 0 : i32
    %dma_start3A_612 = tpu.memref_slice %arg6[%dma_start3A_601, %dma_start3A_610, %dma_start3A_611] : memref<4x224x128xf32, #tpu.memory_space<vmem>> -> memref<1x224x128xf32, #tpu.memory_space<vmem>>
    %dma_start3A_613 = tpu.memref_squeeze %dma_start3A_612 : memref<1x224x128xf32, #tpu.memory_space<vmem>> -> memref<224x128xf32, #tpu.memory_space<vmem>>
    tpu.enqueue_dma source(%dma_start3A_613 : memref<224x128xf32, #tpu.memory_space<vmem>>) target(%dma_start3A_609 : memref<224x128xf32, #tpu.memory_space<hbm>>) target_semaphore(%arg11 : memref<!tpu.dma_semaphore, #tpu.memory_space<semaphore_mem>>)
    %dma_wait3A_614 = arith.constant 1 : i32
    %dma_wait3A_615 = arith.constant 0 : i32
    %dma_wait3A_616 = arith.constant 0 : i32
    %dma_wait3A_617 = tpu.memref_slice %arg6[%dma_wait3A_614, %dma_wait3A_615, %dma_wait3A_616] : memref<4x224x128xf32, #tpu.memory_space<vmem>> -> memref<1x224x128xf32, #tpu.memory_space<vmem>>
    %dma_wait3A_618 = tpu.memref_squeeze %dma_wait3A_617 : memref<1x224x128xf32, #tpu.memory_space<vmem>> -> memref<224x128xf32, #tpu.memory_space<vmem>>
    %dma_wait3A_619 = arith.constant 2912 : i32
    %dma_wait3A_620 = tpu.memref_slice %arg5[%dma_wait3A_619] : memref<3136xi32, #tpu.memory_space<vmem>> -> memref<224xi32, #tpu.memory_space<vmem>>
    %dma_wait3A_621 = arith.constant 0 : i32
    %dma_wait3A_622 = arith.constant 0 : i32
    %dma_wait3A_623 = tpu.memref_slice %arg2[%dma_wait3A_621, %dma_wait3A_622] : memref<100000x128xf32, #tpu.memory_space<hbm>> -> memref<100000x128xf32, #tpu.memory_space<hbm>>
    tpu.wait_indirect_dma semaphore(%arg8 : memref<!tpu.dma_semaphore, #tpu.memory_space<semaphore_mem>>) src(%dma_wait3A_623 : memref<100000x128xf32, #tpu.memory_space<hbm>>) dst(%dma_wait3A_618 : memref<224x128xf32, #tpu.memory_space<vmem>>)
    %add3A_624 = arith.constant 2912 : i32
    %add3A_625 = arith.addi %multiple_of3A, %add3A_624 : i32
    %dma_start3A_626 = arith.constant 1 : i32
    %dma_start3A_627 = arith.constant 0 : i32
    %dma_start3A_628 = arith.constant 0 : i32
    %dma_start3A_629 = tpu.memref_slice %arg6[%dma_start3A_626, %dma_start3A_627, %dma_start3A_628] : memref<4x224x128xf32, #tpu.memory_space<vmem>> -> memref<1x224x128xf32, #tpu.memory_space<vmem>>
    %dma_start3A_630 = tpu.memref_squeeze %dma_start3A_629 : memref<1x224x128xf32, #tpu.memory_space<vmem>> -> memref<224x128xf32, #tpu.memory_space<vmem>>
    %dma_start3A_631 = arith.constant 0 : i32
    %dma_start3A_632 = tpu.memref_slice %arg4[%add3A_625, %dma_start3A_631] : memref<100000x128xf32, #tpu.memory_space<hbm>> -> memref<224x128xf32, #tpu.memory_space<hbm>>
    %dma_start3A_633 = arith.constant 0 : i32
    %dma_start3A_634 = tpu.memref_slice %arg4[%add3A_625, %dma_start3A_633] : memref<100000x128xf32, #tpu.memory_space<hbm>> -> memref<224x128xf32, #tpu.memory_space<hbm>>
    %dma_start3A_635 = arith.constant 0 : i32
    %dma_start3A_636 = arith.constant 0 : i32
    %dma_start3A_637 = tpu.memref_slice %arg6[%dma_start3A_626, %dma_start3A_635, %dma_start3A_636] : memref<4x224x128xf32, #tpu.memory_space<vmem>> -> memref<1x224x128xf32, #tpu.memory_space<vmem>>
    %dma_start3A_638 = tpu.memref_squeeze %dma_start3A_637 : memref<1x224x128xf32, #tpu.memory_space<vmem>> -> memref<224x128xf32, #tpu.memory_space<vmem>>
    tpu.enqueue_dma source(%dma_start3A_638 : memref<224x128xf32, #tpu.memory_space<vmem>>) target(%dma_start3A_634 : memref<224x128xf32, #tpu.memory_space<hbm>>) target_semaphore(%arg12 : memref<!tpu.dma_semaphore, #tpu.memory_space<semaphore_mem>>)
    %dma_wait3A_639 = arith.constant 2 : i32
    %dma_wait3A_640 = arith.constant 0 : i32
    %dma_wait3A_641 = arith.constant 0 : i32
    %dma_wait3A_642 = tpu.memref_slice %arg6[%dma_wait3A_639, %dma_wait3A_640, %dma_wait3A_641] : memref<4x224x128xf32, #tpu.memory_space<vmem>> -> memref<1x224x128xf32, #tpu.memory_space<vmem>>
    %dma_wait3A_643 = tpu.memref_squeeze %dma_wait3A_642 : memref<1x224x128xf32, #tpu.memory_space<vmem>> -> memref<224x128xf32, #tpu.memory_space<vmem>>
    %dma_wait3A_644 = arith.constant 0 : i32
    %dma_wait3A_645 = tpu.memref_slice %arg4[%add3A_504, %dma_wait3A_644] : memref<100000x128xf32, #tpu.memory_space<hbm>> -> memref<224x128xf32, #tpu.memory_space<hbm>>
    %dma_wait3A_646 = arith.constant 0 : i32
    %dma_wait3A_647 = tpu.memref_slice %arg4[%add3A_504, %dma_wait3A_646] : memref<100000x128xf32, #tpu.memory_space<hbm>> -> memref<224x128xf32, #tpu.memory_space<hbm>>
    %dma_wait3A_648 = arith.constant 0 : i32
    %dma_wait3A_649 = arith.constant 0 : i32
    %dma_wait3A_650 = tpu.memref_slice %arg6[%dma_wait3A_639, %dma_wait3A_648, %dma_wait3A_649] : memref<4x224x128xf32, #tpu.memory_space<vmem>> -> memref<1x224x128xf32, #tpu.memory_space<vmem>>
    %dma_wait3A_651 = tpu.memref_squeeze %dma_wait3A_650 : memref<1x224x128xf32, #tpu.memory_space<vmem>> -> memref<224x128xf32, #tpu.memory_space<vmem>>
    tpu.wait_dma2 semaphore(%arg13 : memref<!tpu.dma_semaphore, #tpu.memory_space<semaphore_mem>>) src(%dma_wait3A_651 : memref<224x128xf32, #tpu.memory_space<vmem>>) dst(%dma_wait3A_647 : memref<224x128xf32, #tpu.memory_space<hbm>>)
    %dma_wait3A_652 = arith.constant 3 : i32
    %dma_wait3A_653 = arith.constant 0 : i32
    %dma_wait3A_654 = arith.constant 0 : i32
    %dma_wait3A_655 = tpu.memref_slice %arg6[%dma_wait3A_652, %dma_wait3A_653, %dma_wait3A_654] : memref<4x224x128xf32, #tpu.memory_space<vmem>> -> memref<1x224x128xf32, #tpu.memory_space<vmem>>
    %dma_wait3A_656 = tpu.memref_squeeze %dma_wait3A_655 : memref<1x224x128xf32, #tpu.memory_space<vmem>> -> memref<224x128xf32, #tpu.memory_space<vmem>>
    %dma_wait3A_657 = arith.constant 0 : i32
    %dma_wait3A_658 = tpu.memref_slice %arg4[%add3A_552, %dma_wait3A_657] : memref<100000x128xf32, #tpu.memory_space<hbm>> -> memref<224x128xf32, #tpu.memory_space<hbm>>
    %dma_wait3A_659 = arith.constant 0 : i32
    %dma_wait3A_660 = tpu.memref_slice %arg4[%add3A_552, %dma_wait3A_659] : memref<100000x128xf32, #tpu.memory_space<hbm>> -> memref<224x128xf32, #tpu.memory_space<hbm>>
    %dma_wait3A_661 = arith.constant 0 : i32
    %dma_wait3A_662 = arith.constant 0 : i32
    %dma_wait3A_663 = tpu.memref_slice %arg6[%dma_wait3A_652, %dma_wait3A_661, %dma_wait3A_662] : memref<4x224x128xf32, #tpu.memory_space<vmem>> -> memref<1x224x128xf32, #tpu.memory_space<vmem>>
    %dma_wait3A_664 = tpu.memref_squeeze %dma_wait3A_663 : memref<1x224x128xf32, #tpu.memory_space<vmem>> -> memref<224x128xf32, #tpu.memory_space<vmem>>
    tpu.wait_dma2 semaphore(%arg14 : memref<!tpu.dma_semaphore, #tpu.memory_space<semaphore_mem>>) src(%dma_wait3A_664 : memref<224x128xf32, #tpu.memory_space<vmem>>) dst(%dma_wait3A_660 : memref<224x128xf32, #tpu.memory_space<hbm>>)
    %dma_wait3A_665 = arith.constant 0 : i32
    %dma_wait3A_666 = arith.constant 0 : i32
    %dma_wait3A_667 = arith.constant 0 : i32
    %dma_wait3A_668 = tpu.memref_slice %arg6[%dma_wait3A_665, %dma_wait3A_666, %dma_wait3A_667] : memref<4x224x128xf32, #tpu.memory_space<vmem>> -> memref<1x224x128xf32, #tpu.memory_space<vmem>>
    %dma_wait3A_669 = tpu.memref_squeeze %dma_wait3A_668 : memref<1x224x128xf32, #tpu.memory_space<vmem>> -> memref<224x128xf32, #tpu.memory_space<vmem>>
    %dma_wait3A_670 = arith.constant 0 : i32
    %dma_wait3A_671 = tpu.memref_slice %arg4[%add3A_600, %dma_wait3A_670] : memref<100000x128xf32, #tpu.memory_space<hbm>> -> memref<224x128xf32, #tpu.memory_space<hbm>>
    %dma_wait3A_672 = arith.constant 0 : i32
    %dma_wait3A_673 = tpu.memref_slice %arg4[%add3A_600, %dma_wait3A_672] : memref<100000x128xf32, #tpu.memory_space<hbm>> -> memref<224x128xf32, #tpu.memory_space<hbm>>
    %dma_wait3A_674 = arith.constant 0 : i32
    %dma_wait3A_675 = arith.constant 0 : i32
    %dma_wait3A_676 = tpu.memref_slice %arg6[%dma_wait3A_665, %dma_wait3A_674, %dma_wait3A_675] : memref<4x224x128xf32, #tpu.memory_space<vmem>> -> memref<1x224x128xf32, #tpu.memory_space<vmem>>
    %dma_wait3A_677 = tpu.memref_squeeze %dma_wait3A_676 : memref<1x224x128xf32, #tpu.memory_space<vmem>> -> memref<224x128xf32, #tpu.memory_space<vmem>>
    tpu.wait_dma2 semaphore(%arg11 : memref<!tpu.dma_semaphore, #tpu.memory_space<semaphore_mem>>) src(%dma_wait3A_677 : memref<224x128xf32, #tpu.memory_space<vmem>>) dst(%dma_wait3A_673 : memref<224x128xf32, #tpu.memory_space<hbm>>)
    %dma_wait3A_678 = arith.constant 1 : i32
    %dma_wait3A_679 = arith.constant 0 : i32
    %dma_wait3A_680 = arith.constant 0 : i32
    %dma_wait3A_681 = tpu.memref_slice %arg6[%dma_wait3A_678, %dma_wait3A_679, %dma_wait3A_680] : memref<4x224x128xf32, #tpu.memory_space<vmem>> -> memref<1x224x128xf32, #tpu.memory_space<vmem>>
    %dma_wait3A_682 = tpu.memref_squeeze %dma_wait3A_681 : memref<1x224x128xf32, #tpu.memory_space<vmem>> -> memref<224x128xf32, #tpu.memory_space<vmem>>
    %dma_wait3A_683 = arith.constant 0 : i32
    %dma_wait3A_684 = tpu.memref_slice %arg4[%add3A_625, %dma_wait3A_683] : memref<100000x128xf32, #tpu.memory_space<hbm>> -> memref<224x128xf32, #tpu.memory_space<hbm>>
    %dma_wait3A_685 = arith.constant 0 : i32
    %dma_wait3A_686 = tpu.memref_slice %arg4[%add3A_625, %dma_wait3A_685] : memref<100000x128xf32, #tpu.memory_space<hbm>> -> memref<224x128xf32, #tpu.memory_space<hbm>>
    %dma_wait3A_687 = arith.constant 0 : i32
    %dma_wait3A_688 = arith.constant 0 : i32
    %dma_wait3A_689 = tpu.memref_slice %arg6[%dma_wait3A_678, %dma_wait3A_687, %dma_wait3A_688] : memref<4x224x128xf32, #tpu.memory_space<vmem>> -> memref<1x224x128xf32, #tpu.memory_space<vmem>>
    %dma_wait3A_690 = tpu.memref_squeeze %dma_wait3A_689 : memref<1x224x128xf32, #tpu.memory_space<vmem>> -> memref<224x128xf32, #tpu.memory_space<vmem>>
    tpu.wait_dma2 semaphore(%arg12 : memref<!tpu.dma_semaphore, #tpu.memory_space<semaphore_mem>>) src(%dma_wait3A_690 : memref<224x128xf32, #tpu.memory_space<vmem>>) dst(%dma_wait3A_686 : memref<224x128xf32, #tpu.memory_space<hbm>>)
    return
  }
}

</mosaic_0001>

<sc_bundles>
// kernel: kernel.3.cloned.1.call-start
scs
__scs_entry_jumppad:
0x0: {  	(pc) =	sbr.rel $0x88, $3  }
0x1: {  	(tag) =	ssettag $0x0;
	lr =	simm.s32 $0x1  }
0x2: {  	[smem:$0x3F9F] =	sst lr;
	_ =	strace $0xD0000000  }
0x3: {  	_ = 	snop  }
0x4: {  	_ = 	snop  }
0x5: {  	_ = 	snop  }
0x6: {  	_ = 	snop  }
0x7: {  	_ = 	snop  }
__scs_overlays_trampoline_lowered:
0x8: {  	[smem:$0x3FAE] =	sst s0  }
0x9: {  	[smem:$0x3FAF] =	sst s1  }
0xa: {  	[smem:$0x3FB0] =	sst s2  }
0xb: {  	[smem:$0x3FB1] =	sst s3  }
0xc: {  	[smem:$0x3FB2] =	sst s4  }
0xd: {  	[smem:$0x3FB3] =	sst s5  }
0xe: {  	[smem:$0x3FB4] =	sst s6  }
0xf: {  	[smem:$0x3FB5] =	sst s7  }
0x10: {  	[smem:$0x3FB6] =	sst s8  }
0x11: {  	[smem:$0x3FB7] =	sst s9;
	s0 =	simm.s32 @!p0 $0x0  }
0x12: {  	s1 =	sld [smem:$0x3F9D];
	s0 =	simm.s32 @p0 $0x1  }
0x13: {  	[smem:$0x3FB8] =	sst s0;
	s0 =	simm.s32 @!p1 $0x0  }
0x14: {  	s2 =	sld [smem:$0x3F9C];
	s0 =	simm.s32 @p1 $0x1  }
0x15: {  	[smem:$0x3FB9] =	sst s0;
	s0 =	simm.s32 @!p2 $0x0  }
0x16: {  	s3 =	sld [smem:$0x3FDB];
	s0 =	simm.s32 @p2 $0x1  }
0x17: {  	s4 =	simm.s32 $0x1BF5;
	[smem:$0x3FBB] =	sst s0  }
0x18: {  	s0 =	sld [smem:$0x3F9E];
	_ =	swait.ge [sflag:s4], $0x0  }
0x19: {  	s7 =	sld [smem:$0x3F9F]  }
0x1a: {  	s8 =	sadd.s32 $0xFFFFE003, lr  }
0x1b: {  	s9 =	sadd.s32 $0xFFFFFEF7, lr;
	s5 =	simm.s32 $0xFFFFFFFF;
	p2 =	slt.u32 s8, $0xFFFFF086  }
0x1c: {  	p1 =	slt.u32 s9, $0xF7A;
	s5 =	simm.s32 @!p2 $0x0  }
0x1d: {  	s5 =	simm.s32 @p1 $0x1;
	p0 =	seq.s32 s7, s2  }
0x1e: {  	s7 =	smul.u32 @!p0 $0xF7A, s2;
	p2 =	seq.s32 @!p0 s5, $0x0  }
0x1f: {  	s9 =	smul.u32 $0xF7A, s1;
	s8 =	simm.s32 @!p0 $0x1BF5;
	p2 =	por !p2, p0  }
0x20: {  	[sflag:s8] =	ssyncset.s32 @!p0 $0xFFFFF086;
	s6 =	sadd.s32 @!p0 s3, s7;
	s7 =	simm.s32 @!p0 $0x108  }
0x21: {  	s3 =	sadd.s32 s3, s9;
	s6 =	sadd.s32 @!p0 $0x88, s6;
	s7 =	simm.s32 @p2 $0x1082  }
0x22: {  	[simem:s7], [sflag:s8] =	dma.local @!p0 [hbm:s6], $0xF7A  }
0x23: {  	s9 =	sor.u32 $0xD0000000, s2;
	s6 =	simm.s32 $0x108;
	_ =	swait.ge @!p0 [sflag:s8], $0x0  }
0x24: {  	s3 =	sadd.s32 $0x88, s3;
	s6 =	simm.s32 @!p1 $0x1082;
	[sflag:s4] =	ssyncset.s32 $0xFFFFF086  }
0x25: {  	[simem:s6], [sflag:s4] =	dma.local [hbm:s3], $0xF7A  }
0x26: {  	[smem:$0x3F9F] =	sst s1;
	(tag) =	ssettag s2;
	_ =	strace s9  }
0x27: {  	s1 =	sld [smem:$0x3FAF]  }
0x28: {  	s2 =	sld [smem:$0x3FB0]  }
0x29: {  	s4 =	sld [smem:$0x3FB2]  }
0x2a: {  	p0 =	seq.s32 s5, $0x0;
	s5 =	sld [smem:$0x3FB3]  }
0x2b: {  	s6 =	sld [smem:$0x3FB4]  }
0x2c: {  	s7 =	sld [smem:$0x3FB5]  }
0x2d: {  	s3 =	simm.s32 $0x108;
	s8 =	sld [smem:$0x3FB6]  }
0x2e: {  	s3 =	simm.s32 @!p0 $0x1082;
	s9 =	sld [smem:$0x3FB7]  }
0x2f: {  	lr =	sadd.s32 s0, s3;
	s0 =	sld [smem:$0x3FAE]  }
0x30: {  	s3 =	sld [smem:$0x3FB1]  }
0x31: {  	[smem:$0x3FBA] =	sst s10  }
0x32: {  	s10 =	sld [smem:$0x3FB8];
	_ =	sdelay $0x3  }
0x33: {  	p0 =	seq.s32 s10, $0x1;
	s10 =	sld [smem:$0x3FBA];
	_ =	sdelay $0x3  }
0x34: {  	[smem:$0x3FBA] =	sst s10  }
0x35: {  	s10 =	sld [smem:$0x3FB9];
	_ =	sdelay $0x3  }
0x36: {  	p1 =	seq.s32 s10, $0x1;
	s10 =	sld [smem:$0x3FBA];
	_ =	sdelay $0x3  }
0x37: {  	[smem:$0x3FBA] =	sst s10  }
0x38: {  	s10 =	sld [smem:$0x3FBB]  }
0x39: {  	_ = 	snop;
	(pc) =	sbr.ind lr, $3  }
0x3a: {  	_ = 	snop  }
0x3b: {  	_ = 	snop  }
0x3c: {  	p2 =	seq.s32 s10, $0x1;
	s10 =	sld [smem:$0x3FBA]  }
0x3d: {  	_ =	shalt  }
0x3e: {  	_ =	shalt  }
0x3f: {  	_ =	shalt  }
0x40: {  	_ =	shalt  }
0x41: {  	_ =	shalt  }
0x42: {  	_ =	shalt  }
0x43: {  	_ =	shalt  }
0x44: {  	_ =	shalt  }
0x45: {  	_ =	shalt  }
0x46: {  	_ =	shalt  }
0x47: {  	_ =	shalt  }
0x48: {  	_ =	shalt  }
0x49: {  	_ =	shalt  }
0x4a: {  	_ =	shalt  }
0x4b: {  	_ =	shalt  }
0x4c: {  	_ =	shalt  }
0x4d: {  	_ =	shalt  }
0x4e: {  	_ =	shalt  }
0x4f: {  	_ =	shalt  }
0x50: {  	_ =	shalt  }
0x51: {  	_ =	shalt  }
0x52: {  	_ =	shalt  }
0x53: {  	_ =	shalt  }
0x54: {  	_ =	shalt  }
0x55: {  	_ =	shalt  }
0x56: {  	_ =	shalt  }
0x57: {  	_ =	shalt  }
0x58: {  	_ =	shalt  }
0x59: {  	_ =	shalt  }
0x5a: {  	_ =	shalt  }
0x5b: {  	_ =	shalt  }
0x5c: {  	_ =	shalt  }
0x5d: {  	_ =	shalt  }
0x5e: {  	_ =	shalt  }
0x5f: {  	_ =	shalt  }
0x60: {  	_ =	shalt  }
0x61: {  	_ =	shalt  }
0x62: {  	_ =	shalt  }
0x63: {  	_ =	shalt  }
0x64: {  	_ =	shalt  }
0x65: {  	_ =	shalt  }
0x66: {  	_ =	shalt  }
0x67: {  	_ =	shalt  }
0x68: {  	_ =	shalt  }
0x69: {  	_ =	shalt  }
0x6a: {  	_ =	shalt  }
0x6b: {  	_ =	shalt  }
0x6c: {  	_ =	shalt  }
0x6d: {  	_ =	shalt  }
0x6e: {  	_ =	shalt  }
0x6f: {  	_ =	shalt  }
0x70: {  	_ =	shalt  }
0x71: {  	_ =	shalt  }
0x72: {  	_ =	shalt  }
0x73: {  	_ =	shalt  }
0x74: {  	_ =	shalt  }
0x75: {  	_ =	shalt  }
0x76: {  	_ =	shalt  }
0x77: {  	_ =	shalt  }
0x78: {  	_ =	shalt  }
0x79: {  	_ =	shalt  }
0x7a: {  	_ =	shalt  }
0x7b: {  	_ =	shalt  }
0x7c: {  	_ =	shalt  }
0x7d: {  	_ =	shalt  }
0x7e: {  	_ =	shalt  }
0x7f: {  	_ =	shalt  }
0x80: {  	_ =	shalt  }
0x81: {  	_ =	shalt  }
0x82: {  	_ =	shalt  }
0x83: {  	_ =	shalt  }
0x84: {  	_ =	shalt  }
0x85: {  	_ =	shalt  }
0x86: {  	_ =	shalt  }
0x87: {  	_ =	shalt  }
.Lfunc_end0:
.L_simem_size_0:
called_computation_lowered:
.L_overlay_start_0:
0x88: {  	s2 =	sld [smem:$0x3FD9]  }
0x89: {  	s3 =	sld [smem:$0x3FFE];
	_ =	sdelay $0x1  }
0x8a: {  	s1 =	srdreg.scid  }
0x8b: {  	s0 =	sand.u32 $0x1, s1  }
0x8c: {  	s17 =	sshll.u32 s0, $0xA;
	s2 =	sadd.s32 s3, s2  }
0x8d: {  	s2 =	sadd.s32 s2, s17  }
0x8e: {  	[smem:$0x3FC6] =	sst s2  }
0x8f: {  	_ = 	snop  }
0x90: {  	s2 =	sld [smem:$0x3FC8]  }
0x91: {  	s18 =	sld [smem:$0x3FD0];
	(tm) =	ssettm $0x1  }
0x92: {  	s4 =	sld [smem:$0x3FFB];
	_ =	sdelay $0x3  }
0x93: {  	_ =	strace s4  }
0x94: {  	s4 =	sld [smem:$0x3FFC];
	_ =	sdelay $0x3  }
0x95: {  	_ =	strace s4  }
0x96: {  	s4 =	sld [smem:$0x3FFD];
	_ =	sdelay $0x3  }
0x97: {  	_ =	strace s4  }
0x98: {  	_ =	strace $0x8FFFFFFF  }
0x99: {  	s19 =	sld [smem:$0x3FDB];
	_ =	sdelay $0x1  }
0x9a: {  	s5 =	simm.s32 $_scs_section_size  }
0x9b: {  	s6 =	simm.s32 $_size__tile_overlayer_lowered;
	s7 =	simm.s32 $_tile_overlayer_lowered  }
0x9c: {  	s22 =	simm.s32 $0x1BFF;
	s21 =	sshll.u32 s7, $0x1;
	s4 =	sadd.s32 s5, s19  }
0x9d: {  	s8 =	simm.s32 $0x0;
	s20 =	sshll.u32 s6, $0x1;
	s6 =	sadd.s32 s21, s4  }
0x9e: {  	[timem:s8], [sflag:s22] =	dma.local [hbm:s6], s20  }
0x9f: {  	_ =	swait.ge [sflag:s22], s20  }
0xa0: {  	s5 =	ssub.s32 $0x0, s20;
	[sflag:s22] =	ssyncset.done $0x0  }
0xa1: {  	[sflag:s22] =	ssyncadd.s32 s5;
	_ =	sdelay $0x1  }
0xa2: {  	s23 =	simm.s32 $0x1B8B  }
0xa3: {  	_ =	swait.ge [sflag:s23], $0x1  }
0xa4: {  	[sflag:s23] =	ssyncset.done $0x0  }
0xa5: {  	s25 =	simm.s32 $0x1B8E;
	s24 =	sld [smem:$0x3FFE];
	[sflag:s23] =	ssyncadd.s32 $0xFFFFFFFF  }
0xa6: {  	s26 =	simm.s32 $execute0_lowered;
	[smem:$0x3FD2] =	sst s25  }
0xa7: {  	s6 =	sshll.u32 s26, $0x1;
	_ =	strace $0x80000046;
	[dreg:$0x1] =	wrdreg $0xFFFFFFFF  }
0xa8: {  	s28 =	simm.s32 $_size_execute0_lowered;
	s4 =	sadd.s32 s4, s6;
	[dreg:$0x0] =	wrdreg $0x0  }
0xa9: {  	s6 =	sshll.u32 s28, $0x1;
	[dreg:$0x2] =	wrdreg s4  }
0xaa: {  	[dreg:$0x3] =	wrdreg s6  }
0xab: {  	[dreg:$0x4] =	wrdreg $0xC0  }
0xac: {  	_ =	task [dreg:s8], $0x5FFFF  }
0xad: {  	[dreg:$0x1] =	wrdreg $0xFFFFFFFF  }
0xae: {  	[dreg:$0x0] =	wrdreg $0x60  }
0xaf: {  	[dreg:$0x2] =	wrdreg s2  }
0xb0: {  	[dreg:$0x3] =	wrdreg s24  }
0xb1: {  	[dreg:$0x4] =	wrdreg s18  }
0xb2: {  	[dreg:$0x5] =	wrdreg $0x9  }
0xb3: {  	_ =	task.clear_ibuf [dreg:s8], $0x6FFFF;
	_ =	strace $0x90000046  }
0xb4: {  	s29 =	simm.s32 $0x9;
	_ =	strace $0x80000048  }
0xb5: {  	_ =	swait.ge [sflag:s29], $0x1  }
0xb6: {  	[sflag:s29] =	ssyncadd.s32 $0xFFFFFFFF  }
0xb7: {  	_ =	strace $0x90000048  }
0xb8: {  	_ =	sfence  }
0xb9: {  	s30 =	sld [smem:$0x0];
	_ =	sdelay $0x2  }
0xba: {  	s31 =	sshll.u32 s1, $0xD;
	s1 =	sshrl.u32 s1, $0x2  }
0xbb: {  	s3 =	sand.u32 $0x4000, s31;
	s1 =	sadd.s32 s1, s30  }
0xbc: {  	s0 =	sor.u32 s3, s0;
	s1 =	sshll.u32 s1, $0x11  }
0xbd: {  	s0 =	sor.u32 s1, s0  }
0xbe: {  	s0 =	sadd.s32 $0x8F2B, s0  }
0xbf: {  	[sflag:s0] =	ssyncadd.remote.s32 $0x1  }
0xc0: {  	_ =	sfence.sel $0xFFFF  }
0xc1: {  	[dreg:$0x0] =	wrdreg $0xFFFFFFFF;
	(pc) =	sbr.abs _section_cstart, $3  }
0xc2: {  	[dreg:$0x1] =	wrdreg $0xFFFFFFFF  }
0xc3: {  	_ =	task.clear_ibuf [dreg:s8], $0x2FFFF;
	_ =	strace $0x9FFFFFFF  }
0xc4: {  	(tm) =	ssettm $0x7FFFFFFF  }
0xc5: {  	_ =	shalt  }
tec
execute0_lowered:
.L_overlay_start_1:
0x0: {  	(tag) =	ssettag $0x1  }
0x1: {  	s0 =	srdreg.scid;
	s1 =	stileid.u32  }
0x2: {  	s0 =	sand.u32 $0x1, s0;
	s1 =	sshll.u32 s1, $0x1  }
0x3: {  	s3 =	rddreg [dreg:$0x0];
	s1 =	sor.u32 s0, s1  }
0x4: {  	s4 =	rddreg [dreg:$0x1];
	s1 =	smul.u32 $0x17A60, s1  }
0x5: {  	s5 =	rddreg [dreg:$0x2];
	s2 =	simm.s32 $0x0;
	s31 =	simm.s32 $0x9  }
0x6: {  	[smem:$0x7FF] =	sst s2;
	s0 =	ssub.s32 $0x2, s0;
	s1 =	smulhi.u32 $0x8421085, s1  }
0x7: {  	s10 =	simm.s32 $0xE0;
	_ =	strace $0x80000047;
	s24 =	sshrl.u32 s0, $0x1  }
0x8: {  	s0 =	ssub.s32 s0, s24;
	s6 =	sshll.u32 s1, $0x4;
	s1 =	sshrl.u32 s1, $0x3  }
0x9: {  	s0 =	smax.u32 s0, $0x1;
	s6 =	sand.u32 $0x3FFF80, s6;
	s1 =	sadd.s32 s4, s1  }
0xa: {  	p1 =	sne.s32 s0, $0x1;
	s22 =	sadd.s32 s5, s6;
	[dreg:$0x4] =	wrdreg s1  }
0xb: {  	s1 =	sadd.s32 $0xFFFFFFFF, s0;
	s12 =	sadd.s32 $0xE00, s22;
	s0 =	rddreg [dreg:$0x4]  }
0xc: {  	s7 =	simm.s32 $0xC80;
	s13 =	sadd.s32 $0x1C00, s22;
	[dreg:$0x5] =	wrdreg s12  }
0xd: {  	s9 =	simm.s32 $0x1;
	s14 =	sadd.s32 $0x2A00, s22;
	[dreg:$0x6] =	wrdreg s13  }
0xe: {  	s30 =	simm.s32 $0x1C0;
	s15 =	sadd.s32 $0x3800, s22;
	[dreg:$0x7] =	wrdreg s14  }
0xf: {  	s8 =	simm.s32 $0x2;
	s16 =	sadd.s32 $0x4600, s22;
	[dreg:$0x8] =	wrdreg s15  }
0x10: {  	s29 =	simm.s32 $0x2A0;
	s17 =	sadd.s32 $0x5400, s22;
	[dreg:$0x9] =	wrdreg s16  }
0x11: {  	s28 =	simm.s32 $0x380;
	s18 =	sadd.s32 $0x6200, s22;
	[dreg:$0xa] =	wrdreg s17  }
0x12: {  	s11 =	simm.s32 $0x8;
	s19 =	sadd.s32 $0x7000, s22;
	[dreg:$0xb] =	wrdreg s18  }
0x13: {  	p0 =	por $0x0, $0x0;
	s20 =	sadd.s32 $0x7E00, s22;
	[dreg:$0xc] =	wrdreg s19  }
0x14: {  	s24 =	simm.s32 $0x620;
	s21 =	sadd.s32 $0x8C00, s22;
	[dreg:$0xd] =	wrdreg s20  }
0x15: {  	s4 =	simm.s32 $0x5;
	s23 =	sadd.s32 $0x9A00, s22;
	[dreg:$0xe] =	wrdreg s21  }
0x16: {  	s6 =	simm.s32 $0x7C80;
	s25 =	sadd.s32 $0xA800, s22;
	[dreg:$0xf] =	wrdreg s23  }
0x17: {  	s5 =	simm.s32 $0x6;
	s26 =	sadd.s32 $0xB600, s22;
	[dreg:$0x10] =	wrdreg s25  }
.Ltmp0:
0x18: {  	[dreg:$0x11] =	wrdreg s26;
	s15 =	simm.s32 $0xEC80;
	(pc) =	sbr.rel @!p1 .LBB2_3-.Ltmp0, $4  }
0x19: {  	s13 =	simm.s32 $0x15C80;
	s16 =	simm.s32 $0x3;
	s14 =	simm.s32 $0x4  }
0x1a: {  	s26 =	simm.s32 $0x460;
	s12 =	simm.s32 $0x7;
	s25 =	simm.s32 $0x540  }
0x1b: {  	s23 =	simm.s32 $0x700;
	s21 =	simm.s32 $0x7E0;
	s20 =	simm.s32 $0x8C0  }
0x1c: {  	s19 =	simm.s32 $0x9A0;
	s18 =	simm.s32 $0xA80;
	s17 =	simm.s32 $0xB60  }
0x1d: {  	[tilespmem:s2], [sflag:$0x9] =	stream.linear.gather [hbm4b:s0+s2], $0xC40, $0x38;
	[tilespmem:$0x1CC80] =	vst v63  }
0x1e: {  	_ =	swait.ge [sflag:s31], $0xC40  }
0x1f: {  	[sflag:s31] =	ssyncset.done $0x0  }
0x20: {  	[sflag:s31] =	ssyncadd.s32 $0xFFFFF3C0  }
0x21: {  	[tilespmem:s7], [sflag:$0x1] =	stream.indirect.gather [hbm4b:s3+s10], $0x80, s2, s10, $0xb8;
	[tilespmem:$0x1CC80] =	vst v63  }
0x22: {  	_ = 	snop  }
0x23: {  	[tilespmem:s6], [sflag:$0x2] =	stream.indirect.gather [hbm4b:s3+s10], $0x80, s10, s10, $0xb8;
	[tilespmem:$0x1CC80] =	vst v63  }
0x24: {  	_ =	swait.ge [sflag:s9], $0x7000  }
0x25: {  	[sflag:s9] =	ssyncset.done $0x0  }
0x26: {  	[sflag:s9] =	ssyncadd.s32 $0xFFFF9000  }
0x27: {  	[hbm4b:s22+s2] =	stream.linear.scatter [tilespmem:s7], [sflag:$0x5], $0x7000, $0x38;
	[tilespmem:$0x1CC80] =	vst v63  }
0x28: {  	_ = 	snop  }
0x29: {  	[tilespmem:s15], [sflag:$0x3] =	stream.indirect.gather [hbm4b:s3+s10], $0x80, s30, s10, $0xb8;
	[tilespmem:$0x1CC80] =	vst v63  }
0x2a: {  	_ =	swait.ge [sflag:s8], $0x7000  }
0x2b: {  	[sflag:s8] =	ssyncset.done $0x0  }
0x2c: {  	s0 =	rddreg [dreg:$0x5];
	[sflag:s8] =	ssyncadd.s32 $0xFFFF9000  }
0x2d: {  	[hbm4b:s0+s2] =	stream.linear.scatter [tilespmem:s6], [sflag:$0x6], $0x7000, $0x38;
	[tilespmem:$0x1CC80] =	vst v63  }
0x2e: {  	_ = 	snop  }
0x2f: {  	[tilespmem:s13], [sflag:$0x4] =	stream.indirect.gather [hbm4b:s3+s10], $0x80, s29, s10, $0xb8;
	[tilespmem:$0x1CC80] =	vst v63  }
0x30: {  	_ =	swait.ge [sflag:s16], $0x7000  }
0x31: {  	[sflag:s16] =	ssyncset.done $0x0  }
0x32: {  	s0 =	rddreg [dreg:$0x6];
	[sflag:s16] =	ssyncadd.s32 $0xFFFF9000  }
0x33: {  	[hbm4b:s0+s2] =	stream.linear.scatter [tilespmem:s15], [sflag:$0x7], $0x7000, $0x38;
	[tilespmem:$0x1CC80] =	vst v63  }
0x34: {  	_ =	swait.ge [sflag:s4], $0x7000  }
0x35: {  	[sflag:s4] =	ssyncset.done $0x0  }
0x36: {  	[sflag:s4] =	ssyncadd.s32 $0xFFFF9000  }
0x37: {  	[tilespmem:s7], [sflag:$0x1] =	stream.indirect.gather [hbm4b:s3+s10], $0x80, s28, s10, $0xb8;
	[tilespmem:$0x1CC80] =	vst v63  }
0x38: {  	_ =	swait.ge [sflag:s14], $0x7000  }
0x39: {  	[sflag:s14] =	ssyncset.done $0x0  }
0x3a: {  	s0 =	rddreg [dreg:$0x7];
	[sflag:s14] =	ssyncadd.s32 $0xFFFF9000  }
0x3b: {  	[hbm4b:s0+s2] =	stream.linear.scatter [tilespmem:s13], [sflag:$0x8], $0x7000, $0x38;
	[tilespmem:$0x1CC80] =	vst v63  }
0x3c: {  	_ =	swait.ge [sflag:s5], $0x7000  }
0x3d: {  	[sflag:s5] =	ssyncset.done $0x0  }
0x3e: {  	[sflag:s5] =	ssyncadd.s32 $0xFFFF9000  }
0x3f: {  	[tilespmem:s6], [sflag:$0x2] =	stream.indirect.gather [hbm4b:s3+s10], $0x80, s26, s10, $0xb8;
	[tilespmem:$0x1CC80] =	vst v63  }
0x40: {  	_ =	swait.ge [sflag:s9], $0x7000  }
0x41: {  	[sflag:s9] =	ssyncset.done $0x0  }
0x42: {  	s0 =	rddreg [dreg:$0x8];
	[sflag:s9] =	ssyncadd.s32 $0xFFFF9000  }
0x43: {  	[hbm4b:s0+s2] =	stream.linear.scatter [tilespmem:s7], [sflag:$0x5], $0x7000, $0x38;
	[tilespmem:$0x1CC80] =	vst v63  }
0x44: {  	_ =	swait.ge [sflag:s12], $0x7000  }
0x45: {  	[sflag:s12] =	ssyncset.done $0x0  }
0x46: {  	[sflag:s12] =	ssyncadd.s32 $0xFFFF9000  }
0x47: {  	[tilespmem:s15], [sflag:$0x3] =	stream.indirect.gather [hbm4b:s3+s10], $0x80, s25, s10, $0xb8;
	[tilespmem:$0x1CC80] =	vst v63  }
0x48: {  	_ =	swait.ge [sflag:s8], $0x7000  }
0x49: {  	[sflag:s8] =	ssyncset.done $0x0  }
0x4a: {  	s0 =	rddreg [dreg:$0x9];
	[sflag:s8] =	ssyncadd.s32 $0xFFFF9000  }
0x4b: {  	[hbm4b:s0+s2] =	stream.linear.scatter [tilespmem:s6], [sflag:$0x6], $0x7000, $0x38;
	[tilespmem:$0x1CC80] =	vst v63  }
0x4c: {  	_ =	swait.ge [sflag:s11], $0x7000  }
0x4d: {  	[sflag:s11] =	ssyncset.done $0x0  }
0x4e: {  	[sflag:s11] =	ssyncadd.s32 $0xFFFF9000  }
0x4f: {  	[tilespmem:s13], [sflag:$0x4] =	stream.indirect.gather [hbm4b:s3+s10], $0x80, s24, s10, $0xb8;
	[tilespmem:$0x1CC80] =	vst v63  }
0x50: {  	_ =	swait.ge [sflag:s16], $0x7000  }
0x51: {  	[sflag:s16] =	ssyncset.done $0x0  }
0x52: {  	s0 =	rddreg [dreg:$0xa];
	[sflag:s16] =	ssyncadd.s32 $0xFFFF9000  }
0x53: {  	[hbm4b:s0+s2] =	stream.linear.scatter [tilespmem:s15], [sflag:$0x7], $0x7000, $0x38;
	[tilespmem:$0x1CC80] =	vst v63  }
0x54: {  	_ =	swait.ge [sflag:s4], $0x7000  }
0x55: {  	[sflag:s4] =	ssyncset.done $0x0  }
0x56: {  	[sflag:s4] =	ssyncadd.s32 $0xFFFF9000  }
0x57: {  	[tilespmem:s7], [sflag:$0x1] =	stream.indirect.gather [hbm4b:s3+s10], $0x80, s23, s10, $0xb8;
	[tilespmem:$0x1CC80] =	vst v63  }
0x58: {  	_ =	swait.ge [sflag:s14], $0x7000  }
0x59: {  	[sflag:s14] =	ssyncset.done $0x0  }
0x5a: {  	s0 =	rddreg [dreg:$0xb];
	[sflag:s14] =	ssyncadd.s32 $0xFFFF9000  }
0x5b: {  	[hbm4b:s0+s2] =	stream.linear.scatter [tilespmem:s13], [sflag:$0x8], $0x7000, $0x38;
	[tilespmem:$0x1CC80] =	vst v63  }
0x5c: {  	_ =	swait.ge [sflag:s5], $0x7000  }
0x5d: {  	[sflag:s5] =	ssyncset.done $0x0  }
0x5e: {  	[sflag:s5] =	ssyncadd.s32 $0xFFFF9000  }
0x5f: {  	[tilespmem:s6], [sflag:$0x2] =	stream.indirect.gather [hbm4b:s3+s10], $0x80, s21, s10, $0xb8;
	[tilespmem:$0x1CC80] =	vst v63  }
0x60: {  	_ =	swait.ge [sflag:s9], $0x7000  }
0x61: {  	[sflag:s9] =	ssyncset.done $0x0  }
0x62: {  	s0 =	rddreg [dreg:$0xc];
	[sflag:s9] =	ssyncadd.s32 $0xFFFF9000  }
0x63: {  	[hbm4b:s0+s2] =	stream.linear.scatter [tilespmem:s7], [sflag:$0x5], $0x7000, $0x38;
	[tilespmem:$0x1CC80] =	vst v63  }
0x64: {  	_ =	swait.ge [sflag:s12], $0x7000  }
0x65: {  	[sflag:s12] =	ssyncset.done $0x0  }
0x66: {  	[sflag:s12] =	ssyncadd.s32 $0xFFFF9000  }
0x67: {  	[tilespmem:s15], [sflag:$0x3] =	stream.indirect.gather [hbm4b:s3+s10], $0x80, s20, s10, $0xb8;
	[tilespmem:$0x1CC80] =	vst v63  }
0x68: {  	_ =	swait.ge [sflag:s8], $0x7000  }
0x69: {  	[sflag:s8] =	ssyncset.done $0x0  }
0x6a: {  	s0 =	rddreg [dreg:$0xd];
	[sflag:s8] =	ssyncadd.s32 $0xFFFF9000  }
0x6b: {  	[hbm4b:s0+s2] =	stream.linear.scatter [tilespmem:s6], [sflag:$0x6], $0x7000, $0x38;
	[tilespmem:$0x1CC80] =	vst v63  }
0x6c: {  	_ =	swait.ge [sflag:s11], $0x7000  }
0x6d: {  	[sflag:s11] =	ssyncset.done $0x0  }
0x6e: {  	[sflag:s11] =	ssyncadd.s32 $0xFFFF9000  }
0x6f: {  	[tilespmem:s13], [sflag:$0x4] =	stream.indirect.gather [hbm4b:s3+s10], $0x80, s19, s10, $0xb8;
	[tilespmem:$0x1CC80] =	vst v63  }
0x70: {  	_ =	swait.ge [sflag:s16], $0x7000  }
0x71: {  	[sflag:s16] =	ssyncset.done $0x0  }
0x72: {  	s0 =	rddreg [dreg:$0xe];
	[sflag:s16] =	ssyncadd.s32 $0xFFFF9000  }
0x73: {  	[hbm4b:s0+s2] =	stream.linear.scatter [tilespmem:s15], [sflag:$0x7], $0x7000, $0x38;
	[tilespmem:$0x1CC80] =	vst v63  }
0x74: {  	_ =	swait.ge [sflag:s4], $0x7000  }
0x75: {  	[sflag:s4] =	ssyncset.done $0x0  }
0x76: {  	[sflag:s4] =	ssyncadd.s32 $0xFFFF9000  }
0x77: {  	[tilespmem:s7], [sflag:$0x1] =	stream.indirect.gather [hbm4b:s3+s10], $0x80, s18, s10, $0xb8;
	[tilespmem:$0x1CC80] =	vst v63  }
0x78: {  	_ =	swait.ge [sflag:s14], $0x7000  }
0x79: {  	[sflag:s14] =	ssyncset.done $0x0  }
0x7a: {  	s0 =	rddreg [dreg:$0xf];
	[sflag:s14] =	ssyncadd.s32 $0xFFFF9000  }
0x7b: {  	[hbm4b:s0+s2] =	stream.linear.scatter [tilespmem:s13], [sflag:$0x8], $0x7000, $0x38;
	[tilespmem:$0x1CC80] =	vst v63  }
0x7c: {  	_ =	swait.ge [sflag:s5], $0x7000  }
0x7d: {  	[sflag:s5] =	ssyncset.done $0x0  }
0x7e: {  	[sflag:s5] =	ssyncadd.s32 $0xFFFF9000  }
0x7f: {  	[tilespmem:s6], [sflag:$0x2] =	stream.indirect.gather [hbm4b:s3+s10], $0x80, s17, s10, $0xb8;
	[tilespmem:$0x1CC80] =	vst v63  }
0x80: {  	_ =	swait.ge [sflag:s9], $0x7000  }
0x81: {  	[sflag:s9] =	ssyncset.done $0x0  }
0x82: {  	s0 =	rddreg [dreg:$0x10];
	[sflag:s9] =	ssyncadd.s32 $0xFFFF9000  }
0x83: {  	[hbm4b:s0+s2] =	stream.linear.scatter [tilespmem:s7], [sflag:$0x5], $0x7000, $0x38;
	[tilespmem:$0x1CC80] =	vst v63  }
0x84: {  	_ =	swait.ge [sflag:s8], $0x7000  }
0x85: {  	[sflag:s8] =	ssyncset.done $0x0  }
0x86: {  	s0 =	rddreg [dreg:$0x11];
	[sflag:s8] =	ssyncadd.s32 $0xFFFF9000  }
0x87: {  	[hbm4b:s0+s2] =	stream.linear.scatter [tilespmem:s6], [sflag:$0x6], $0x7000, $0x38;
	[tilespmem:$0x1CC80] =	vst v63  }
0x88: {  	_ =	swait.ge [sflag:s12], $0x7000  }
0x89: {  	[sflag:s12] =	ssyncset.done $0x0  }
0x8a: {  	[sflag:s12] =	ssyncadd.s32 $0xFFFF9000  }
0x8b: {  	_ =	swait.ge [sflag:s11], $0x7000  }
0x8c: {  	[sflag:s11] =	ssyncset.done $0x0  }
0x8d: {  	p1 =	sne.s32 s1, $0x1;
	[sflag:s11] =	ssyncadd.s32 $0xFFFF9000  }
.Ltmp1:
0x8e: {  	_ =	swait.ge [sflag:s4], $0x7000;
	(pc) =	sbr.rel @!p1 .LBB2_3-.Ltmp1, $4  }
0x8f: {  	[sflag:s4] =	ssyncset.done $0x0  }
0x90: {  	[sflag:s4] =	ssyncadd.s32 $0xFFFF9000  }
0x91: {  	s1 =	sadd.s32 $0xFFFFFFFF, s1;
	_ =	swait.ge [sflag:s5], $0x7000  }
0x92: {  	p0 =	por $0x1, $0x1;
	s0 =	rddreg [dreg:$0x4];
	[sflag:s5] =	ssyncset.done $0x0  }
.LBB2_2:
0x93: {  	[sflag:s5] =	ssyncadd.s32 $0xFFFF9000  }
0x94: {  	[tilespmem:s2], [sflag:$0x9] =	stream.linear.gather [hbm4b:s0+s2], $0xC40, $0x38;
	[tilespmem:$0x1CC80] =	vst v63  }
0x95: {  	_ =	swait.ge [sflag:s31], $0xC40  }
0x96: {  	[sflag:s31] =	ssyncset.done $0x0  }
0x97: {  	[sflag:s31] =	ssyncadd.s32 $0xFFFFF3C0  }
0x98: {  	[tilespmem:s7], [sflag:$0x1] =	stream.indirect.gather [hbm4b:s3+s10], $0x80, s2, s10, $0xb8;
	[tilespmem:$0x1CC80] =	vst v63  }
0x99: {  	_ = 	snop  }
0x9a: {  	[tilespmem:s6], [sflag:$0x2] =	stream.indirect.gather [hbm4b:s3+s10], $0x80, s10, s10, $0xb8;
	[tilespmem:$0x1CC80] =	vst v63  }
0x9b: {  	_ =	swait.ge [sflag:s9], $0x7000  }
0x9c: {  	[sflag:s9] =	ssyncset.done $0x0  }
0x9d: {  	[sflag:s9] =	ssyncadd.s32 $0xFFFF9000  }
0x9e: {  	[hbm4b:s22+s2] =	stream.linear.scatter [tilespmem:s7], [sflag:$0x5], $0x7000, $0x38;
	[tilespmem:$0x1CC80] =	vst v63  }
0x9f: {  	_ = 	snop  }
0xa0: {  	[tilespmem:s15], [sflag:$0x3] =	stream.indirect.gather [hbm4b:s3+s10], $0x80, s30, s10, $0xb8;
	[tilespmem:$0x1CC80] =	vst v63  }
0xa1: {  	_ =	swait.ge [sflag:s8], $0x7000  }
0xa2: {  	[sflag:s8] =	ssyncset.done $0x0  }
0xa3: {  	s0 =	rddreg [dreg:$0x5];
	[sflag:s8] =	ssyncadd.s32 $0xFFFF9000  }
0xa4: {  	[hbm4b:s0+s2] =	stream.linear.scatter [tilespmem:s6], [sflag:$0x6], $0x7000, $0x38;
	[tilespmem:$0x1CC80] =	vst v63  }
0xa5: {  	_ = 	snop  }
0xa6: {  	[tilespmem:s13], [sflag:$0x4] =	stream.indirect.gather [hbm4b:s3+s10], $0x80, s29, s10, $0xb8;
	[tilespmem:$0x1CC80] =	vst v63  }
0xa7: {  	_ =	swait.ge [sflag:s16], $0x7000  }
0xa8: {  	[sflag:s16] =	ssyncset.done $0x0  }
0xa9: {  	s0 =	rddreg [dreg:$0x6];
	[sflag:s16] =	ssyncadd.s32 $0xFFFF9000  }
0xaa: {  	[hbm4b:s0+s2] =	stream.linear.scatter [tilespmem:s15], [sflag:$0x7], $0x7000, $0x38;
	[tilespmem:$0x1CC80] =	vst v63  }
0xab: {  	_ =	swait.ge [sflag:s4], $0x7000  }
0xac: {  	[sflag:s4] =	ssyncset.done $0x0  }
0xad: {  	[sflag:s4] =	ssyncadd.s32 $0xFFFF9000  }
0xae: {  	[tilespmem:s7], [sflag:$0x1] =	stream.indirect.gather [hbm4b:s3+s10], $0x80, s28, s10, $0xb8;
	[tilespmem:$0x1CC80] =	vst v63  }
0xaf: {  	_ =	swait.ge [sflag:s14], $0x7000  }
0xb0: {  	[sflag:s14] =	ssyncset.done $0x0  }
0xb1: {  	s0 =	rddreg [dreg:$0x7];
	[sflag:s14] =	ssyncadd.s32 $0xFFFF9000  }
0xb2: {  	[hbm4b:s0+s2] =	stream.linear.scatter [tilespmem:s13], [sflag:$0x8], $0x7000, $0x38;
	[tilespmem:$0x1CC80] =	vst v63  }
0xb3: {  	_ =	swait.ge [sflag:s5], $0x7000  }
0xb4: {  	[sflag:s5] =	ssyncset.done $0x0  }
0xb5: {  	[sflag:s5] =	ssyncadd.s32 $0xFFFF9000  }
0xb6: {  	[tilespmem:s6], [sflag:$0x2] =	stream.indirect.gather [hbm4b:s3+s10], $0x80, s26, s10, $0xb8;
	[tilespmem:$0x1CC80] =	vst v63  }
0xb7: {  	_ =	swait.ge [sflag:s9], $0x7000  }
0xb8: {  	[sflag:s9] =	ssyncset.done $0x0  }
0xb9: {  	s0 =	rddreg [dreg:$0x8];
	[sflag:s9] =	ssyncadd.s32 $0xFFFF9000  }
0xba: {  	[hbm4b:s0+s2] =	stream.linear.scatter [tilespmem:s7], [sflag:$0x5], $0x7000, $0x38;
	[tilespmem:$0x1CC80] =	vst v63  }
0xbb: {  	_ =	swait.ge [sflag:s12], $0x7000  }
0xbc: {  	[sflag:s12] =	ssyncset.done $0x0  }
0xbd: {  	[sflag:s12] =	ssyncadd.s32 $0xFFFF9000  }
0xbe: {  	[tilespmem:s15], [sflag:$0x3] =	stream.indirect.gather [hbm4b:s3+s10], $0x80, s25, s10, $0xb8;
	[tilespmem:$0x1CC80] =	vst v63  }
0xbf: {  	_ =	swait.ge [sflag:s8], $0x7000  }
0xc0: {  	[sflag:s8] =	ssyncset.done $0x0  }
0xc1: {  	s0 =	rddreg [dreg:$0x9];
	[sflag:s8] =	ssyncadd.s32 $0xFFFF9000  }
0xc2: {  	[hbm4b:s0+s2] =	stream.linear.scatter [tilespmem:s6], [sflag:$0x6], $0x7000, $0x38;
	[tilespmem:$0x1CC80] =	vst v63  }
0xc3: {  	_ =	swait.ge [sflag:s11], $0x7000  }
0xc4: {  	[sflag:s11] =	ssyncset.done $0x0  }
0xc5: {  	[sflag:s11] =	ssyncadd.s32 $0xFFFF9000  }
0xc6: {  	[tilespmem:s13], [sflag:$0x4] =	stream.indirect.gather [hbm4b:s3+s10], $0x80, s24, s10, $0xb8;
	[tilespmem:$0x1CC80] =	vst v63  }
0xc7: {  	_ =	swait.ge [sflag:s16], $0x7000  }
0xc8: {  	[sflag:s16] =	ssyncset.done $0x0  }
0xc9: {  	s0 =	rddreg [dreg:$0xa];
	[sflag:s16] =	ssyncadd.s32 $0xFFFF9000  }
0xca: {  	[hbm4b:s0+s2] =	stream.linear.scatter [tilespmem:s15], [sflag:$0x7], $0x7000, $0x38;
	[tilespmem:$0x1CC80] =	vst v63  }
0xcb: {  	_ =	swait.ge [sflag:s4], $0x7000  }
0xcc: {  	[sflag:s4] =	ssyncset.done $0x0  }
0xcd: {  	[sflag:s4] =	ssyncadd.s32 $0xFFFF9000  }
0xce: {  	[tilespmem:s7], [sflag:$0x1] =	stream.indirect.gather [hbm4b:s3+s10], $0x80, s23, s10, $0xb8;
	[tilespmem:$0x1CC80] =	vst v63  }
0xcf: {  	_ =	swait.ge [sflag:s14], $0x7000  }
0xd0: {  	[sflag:s14] =	ssyncset.done $0x0  }
0xd1: {  	s0 =	rddreg [dreg:$0xb];
	[sflag:s14] =	ssyncadd.s32 $0xFFFF9000  }
0xd2: {  	[hbm4b:s0+s2] =	stream.linear.scatter [tilespmem:s13], [sflag:$0x8], $0x7000, $0x38;
	[tilespmem:$0x1CC80] =	vst v63  }
0xd3: {  	_ =	swait.ge [sflag:s5], $0x7000  }
0xd4: {  	[sflag:s5] =	ssyncset.done $0x0  }
0xd5: {  	[sflag:s5] =	ssyncadd.s32 $0xFFFF9000  }
0xd6: {  	[tilespmem:s6], [sflag:$0x2] =	stream.indirect.gather [hbm4b:s3+s10], $0x80, s21, s10, $0xb8;
	[tilespmem:$0x1CC80] =	vst v63  }
0xd7: {  	_ =	swait.ge [sflag:s9], $0x7000  }
0xd8: {  	[sflag:s9] =	ssyncset.done $0x0  }
0xd9: {  	s0 =	rddreg [dreg:$0xc];
	[sflag:s9] =	ssyncadd.s32 $0xFFFF9000  }
0xda: {  	[hbm4b:s0+s2] =	stream.linear.scatter [tilespmem:s7], [sflag:$0x5], $0x7000, $0x38;
	[tilespmem:$0x1CC80] =	vst v63  }
0xdb: {  	_ =	swait.ge [sflag:s12], $0x7000  }
0xdc: {  	[sflag:s12] =	ssyncset.done $0x0  }
0xdd: {  	[sflag:s12] =	ssyncadd.s32 $0xFFFF9000  }
0xde: {  	[tilespmem:s15], [sflag:$0x3] =	stream.indirect.gather [hbm4b:s3+s10], $0x80, s20, s10, $0xb8;
	[tilespmem:$0x1CC80] =	vst v63  }
0xdf: {  	_ =	swait.ge [sflag:s8], $0x7000  }
0xe0: {  	[sflag:s8] =	ssyncset.done $0x0  }
0xe1: {  	s0 =	rddreg [dreg:$0xd];
	[sflag:s8] =	ssyncadd.s32 $0xFFFF9000  }
0xe2: {  	[hbm4b:s0+s2] =	stream.linear.scatter [tilespmem:s6], [sflag:$0x6], $0x7000, $0x38;
	[tilespmem:$0x1CC80] =	vst v63  }
0xe3: {  	_ =	swait.ge [sflag:s11], $0x7000  }
0xe4: {  	[sflag:s11] =	ssyncset.done $0x0  }
0xe5: {  	[sflag:s11] =	ssyncadd.s32 $0xFFFF9000  }
0xe6: {  	[tilespmem:s13], [sflag:$0x4] =	stream.indirect.gather [hbm4b:s3+s10], $0x80, s19, s10, $0xb8;
	[tilespmem:$0x1CC80] =	vst v63  }
0xe7: {  	_ =	swait.ge [sflag:s16], $0x7000  }
0xe8: {  	[sflag:s16] =	ssyncset.done $0x0  }
0xe9: {  	s0 =	rddreg [dreg:$0xe];
	[sflag:s16] =	ssyncadd.s32 $0xFFFF9000  }
0xea: {  	[hbm4b:s0+s2] =	stream.linear.scatter [tilespmem:s15], [sflag:$0x7], $0x7000, $0x38;
	[tilespmem:$0x1CC80] =	vst v63  }
0xeb: {  	_ =	swait.ge [sflag:s4], $0x7000  }
0xec: {  	[sflag:s4] =	ssyncset.done $0x0  }
0xed: {  	[sflag:s4] =	ssyncadd.s32 $0xFFFF9000  }
0xee: {  	[tilespmem:s7], [sflag:$0x1] =	stream.indirect.gather [hbm4b:s3+s10], $0x80, s18, s10, $0xb8;
	[tilespmem:$0x1CC80] =	vst v63  }
0xef: {  	_ =	swait.ge [sflag:s14], $0x7000  }
0xf0: {  	[sflag:s14] =	ssyncset.done $0x0  }
0xf1: {  	s0 =	rddreg [dreg:$0xf];
	[sflag:s14] =	ssyncadd.s32 $0xFFFF9000  }
0xf2: {  	[hbm4b:s0+s2] =	stream.linear.scatter [tilespmem:s13], [sflag:$0x8], $0x7000, $0x38;
	[tilespmem:$0x1CC80] =	vst v63  }
0xf3: {  	_ =	swait.ge [sflag:s5], $0x7000  }
0xf4: {  	[sflag:s5] =	ssyncset.done $0x0  }
0xf5: {  	[sflag:s5] =	ssyncadd.s32 $0xFFFF9000  }
0xf6: {  	[tilespmem:s6], [sflag:$0x2] =	stream.indirect.gather [hbm4b:s3+s10], $0x80, s17, s10, $0xb8;
	[tilespmem:$0x1CC80] =	vst v63  }
0xf7: {  	_ =	swait.ge [sflag:s9], $0x7000  }
0xf8: {  	[sflag:s9] =	ssyncset.done $0x0  }
0xf9: {  	s0 =	rddreg [dreg:$0x10];
	[sflag:s9] =	ssyncadd.s32 $0xFFFF9000  }
0xfa: {  	[hbm4b:s0+s2] =	stream.linear.scatter [tilespmem:s7], [sflag:$0x5], $0x7000, $0x38;
	[tilespmem:$0x1CC80] =	vst v63  }
0xfb: {  	_ =	swait.ge [sflag:s8], $0x7000  }
0xfc: {  	[sflag:s8] =	ssyncset.done $0x0  }
0xfd: {  	s0 =	rddreg [dreg:$0x11];
	[sflag:s8] =	ssyncadd.s32 $0xFFFF9000  }
0xfe: {  	[hbm4b:s0+s2] =	stream.linear.scatter [tilespmem:s6], [sflag:$0x6], $0x7000, $0x38;
	[tilespmem:$0x1CC80] =	vst v63  }
0xff: {  	_ =	swait.ge [sflag:s12], $0x7000  }
0x100: {  	[sflag:s12] =	ssyncset.done $0x0  }
0x101: {  	[sflag:s12] =	ssyncadd.s32 $0xFFFF9000  }
0x102: {  	_ =	swait.ge [sflag:s11], $0x7000  }
0x103: {  	[sflag:s11] =	ssyncset.done $0x0  }
0x104: {  	p1 =	sne.s32 s1, $0x1;
	[sflag:s11] =	ssyncadd.s32 $0xFFFF9000  }
.Ltmp2:
0x105: {  	_ =	swait.ge [sflag:s4], $0x7000;
	(pc) =	sbr.rel @p1 .LBB2_2-.Ltmp2, $4  }
0x106: {  	[sflag:s4] =	ssyncset.done $0x0  }
0x107: {  	[sflag:s4] =	ssyncadd.s32 $0xFFFF9000  }
0x108: {  	_ =	swait.ge [sflag:s5], $0x7000  }
0x109: {  	s1 =	sadd.s32 $0xFFFFFFFF, s1;
	s0 =	rddreg [dreg:$0x4];
	[sflag:s5] =	ssyncset.done $0x0  }
.LBB2_3:
0x10a: {  	[sflag:s5] =	ssyncadd.s32 @p0 $0xFFFF9000  }
0x10b: {  	[tilespmem:s2], [sflag:$0x9] =	stream.linear.gather [hbm4b:s0+s2], $0xC40, $0x38;
	[tilespmem:$0x1CC80] =	vst v63  }
0x10c: {  	_ =	swait.ge [sflag:s31], $0xC40  }
0x10d: {  	[sflag:s31] =	ssyncset.done $0x0  }
0x10e: {  	[sflag:s31] =	ssyncadd.s32 $0xFFFFF3C0  }
0x10f: {  	[tilespmem:s7], [sflag:$0x1] =	stream.indirect.gather [hbm4b:s3+s10], $0x80, s2, s10, $0xb8;
	[tilespmem:$0x1CC80] =	vst v63  }
0x110: {  	_ = 	snop  }
0x111: {  	[tilespmem:s6], [sflag:$0x2] =	stream.indirect.gather [hbm4b:s3+s10], $0x80, s10, s10, $0xb8;
	[tilespmem:$0x1CC80] =	vst v63  }
0x112: {  	_ =	swait.ge [sflag:s9], $0x7000  }
0x113: {  	[sflag:s9] =	ssyncset.done $0x0  }
0x114: {  	[sflag:s9] =	ssyncadd.s32 $0xFFFF9000  }
0x115: {  	[hbm4b:s22+s2] =	stream.linear.scatter [tilespmem:s7], [sflag:$0x5], $0x7000, $0x38;
	[tilespmem:$0x1CC80] =	vst v63  }
0x116: {  	_ = 	snop  }
0x117: {  	[tilespmem:s15], [sflag:$0x3] =	stream.indirect.gather [hbm4b:s3+s10], $0x80, s30, s10, $0xb8;
	[tilespmem:$0x1CC80] =	vst v63  }
0x118: {  	_ =	swait.ge [sflag:s8], $0x7000  }
0x119: {  	[sflag:s8] =	ssyncset.done $0x0  }
0x11a: {  	s22 =	rddreg [dreg:$0x5];
	[sflag:s8] =	ssyncadd.s32 $0xFFFF9000  }
0x11b: {  	[hbm4b:s22+s2] =	stream.linear.scatter [tilespmem:s6], [sflag:$0x6], $0x7000, $0x38;
	[tilespmem:$0x1CC80] =	vst v63  }
0x11c: {  	_ = 	snop  }
0x11d: {  	[tilespmem:s13], [sflag:$0x4] =	stream.indirect.gather [hbm4b:s3+s10], $0x80, s29, s10, $0xb8;
	[tilespmem:$0x1CC80] =	vst v63  }
0x11e: {  	_ =	swait.ge [sflag:s16], $0x7000  }
0x11f: {  	[sflag:s16] =	ssyncset.done $0x0  }
0x120: {  	s29 =	rddreg [dreg:$0x6];
	[sflag:s16] =	ssyncadd.s32 $0xFFFF9000  }
0x121: {  	[hbm4b:s29+s2] =	stream.linear.scatter [tilespmem:s15], [sflag:$0x7], $0x7000, $0x38;
	[tilespmem:$0x1CC80] =	vst v63  }
0x122: {  	_ =	swait.ge [sflag:s4], $0x7000  }
0x123: {  	[sflag:s4] =	ssyncset.done $0x0  }
0x124: {  	[sflag:s4] =	ssyncadd.s32 $0xFFFF9000  }
0x125: {  	[tilespmem:s7], [sflag:$0x1] =	stream.indirect.gather [hbm4b:s3+s10], $0x80, s28, s10, $0xb8;
	[tilespmem:$0x1CC80] =	vst v63  }
0x126: {  	_ =	swait.ge [sflag:s14], $0x7000  }
0x127: {  	[sflag:s14] =	ssyncset.done $0x0  }
0x128: {  	s30 =	rddreg [dreg:$0x7];
	[sflag:s14] =	ssyncadd.s32 $0xFFFF9000  }
0x129: {  	[hbm4b:s30+s2] =	stream.linear.scatter [tilespmem:s13], [sflag:$0x8], $0x7000, $0x38;
	[tilespmem:$0x1CC80] =	vst v63  }
0x12a: {  	_ =	swait.ge [sflag:s5], $0x7000  }
0x12b: {  	[sflag:s5] =	ssyncset.done $0x0  }
0x12c: {  	[sflag:s5] =	ssyncadd.s32 $0xFFFF9000  }
0x12d: {  	[tilespmem:s6], [sflag:$0x2] =	stream.indirect.gather [hbm4b:s3+s10], $0x80, s26, s10, $0xb8;
	[tilespmem:$0x1CC80] =	vst v63  }
0x12e: {  	_ =	swait.ge [sflag:s9], $0x7000  }
0x12f: {  	[sflag:s9] =	ssyncset.done $0x0  }
0x130: {  	s31 =	rddreg [dreg:$0x8];
	[sflag:s9] =	ssyncadd.s32 $0xFFFF9000  }
0x131: {  	[hbm4b:s31+s2] =	stream.linear.scatter [tilespmem:s7], [sflag:$0x5], $0x7000, $0x38;
	[tilespmem:$0x1CC80] =	vst v63  }
0x132: {  	_ =	swait.ge [sflag:s12], $0x7000  }
0x133: {  	[sflag:s12] =	ssyncset.done $0x0  }
0x134: {  	[sflag:s12] =	ssyncadd.s32 $0xFFFF9000  }
0x135: {  	[tilespmem:s15], [sflag:$0x3] =	stream.indirect.gather [hbm4b:s3+s10], $0x80, s25, s10, $0xb8;
	[tilespmem:$0x1CC80] =	vst v63  }
0x136: {  	_ =	swait.ge [sflag:s8], $0x7000  }
0x137: {  	[sflag:s8] =	ssyncset.done $0x0  }
0x138: {  	s1 =	rddreg [dreg:$0x9];
	[sflag:s8] =	ssyncadd.s32 $0xFFFF9000  }
0x139: {  	[hbm4b:s1+s2] =	stream.linear.scatter [tilespmem:s6], [sflag:$0x6], $0x7000, $0x38;
	[tilespmem:$0x1CC80] =	vst v63  }
0x13a: {  	_ =	swait.ge [sflag:s11], $0x7000  }
0x13b: {  	[sflag:s11] =	ssyncset.done $0x0  }
0x13c: {  	[sflag:s11] =	ssyncadd.s32 $0xFFFF9000  }
0x13d: {  	[tilespmem:s13], [sflag:$0x4] =	stream.indirect.gather [hbm4b:s3+s10], $0x80, s24, s10, $0xb8;
	[tilespmem:$0x1CC80] =	vst v63  }
0x13e: {  	_ =	swait.ge [sflag:s16], $0x7000  }
0x13f: {  	[sflag:s16] =	ssyncset.done $0x0  }
0x140: {  	s22 =	rddreg [dreg:$0xa];
	[sflag:s16] =	ssyncadd.s32 $0xFFFF9000  }
0x141: {  	[hbm4b:s22+s2] =	stream.linear.scatter [tilespmem:s15], [sflag:$0x7], $0x7000, $0x38;
	[tilespmem:$0x1CC80] =	vst v63  }
0x142: {  	_ =	swait.ge [sflag:s4], $0x7000  }
0x143: {  	[sflag:s4] =	ssyncset.done $0x0  }
0x144: {  	[sflag:s4] =	ssyncadd.s32 $0xFFFF9000  }
0x145: {  	[tilespmem:s7], [sflag:$0x1] =	stream.indirect.gather [hbm4b:s3+s10], $0x80, s23, s10, $0xb8;
	[tilespmem:$0x1CC80] =	vst v63  }
0x146: {  	_ =	swait.ge [sflag:s14], $0x7000  }
0x147: {  	[sflag:s14] =	ssyncset.done $0x0  }
0x148: {  	s23 =	rddreg [dreg:$0xb];
	[sflag:s14] =	ssyncadd.s32 $0xFFFF9000  }
0x149: {  	[hbm4b:s23+s2] =	stream.linear.scatter [tilespmem:s13], [sflag:$0x8], $0x7000, $0x38;
	[tilespmem:$0x1CC80] =	vst v63  }
0x14a: {  	_ =	swait.ge [sflag:s5], $0x7000  }
0x14b: {  	[sflag:s5] =	ssyncset.done $0x0  }
0x14c: {  	[sflag:s5] =	ssyncadd.s32 $0xFFFF9000  }
0x14d: {  	[tilespmem:s6], [sflag:$0x2] =	stream.indirect.gather [hbm4b:s3+s10], $0x80, s21, s10, $0xb8;
	[tilespmem:$0x1CC80] =	vst v63  }
0x14e: {  	_ =	swait.ge [sflag:s9], $0x7000  }
0x14f: {  	[sflag:s9] =	ssyncset.done $0x0  }
0x150: {  	s24 =	rddreg [dreg:$0xc];
	[sflag:s9] =	ssyncadd.s32 $0xFFFF9000  }
0x151: {  	[hbm4b:s24+s2] =	stream.linear.scatter [tilespmem:s7], [sflag:$0x5], $0x7000, $0x38;
	[tilespmem:$0x1CC80] =	vst v63  }
0x152: {  	_ =	swait.ge [sflag:s12], $0x7000  }
0x153: {  	[sflag:s12] =	ssyncset.done $0x0  }
0x154: {  	[sflag:s12] =	ssyncadd.s32 $0xFFFF9000  }
0x155: {  	[tilespmem:s15], [sflag:$0x3] =	stream.indirect.gather [hbm4b:s3+s10], $0x80, s20, s10, $0xb8;
	[tilespmem:$0x1CC80] =	vst v63  }
0x156: {  	_ =	swait.ge [sflag:s8], $0x7000  }
0x157: {  	[sflag:s8] =	ssyncset.done $0x0  }
0x158: {  	s25 =	rddreg [dreg:$0xd];
	[sflag:s8] =	ssyncadd.s32 $0xFFFF9000  }
0x159: {  	[hbm4b:s25+s2] =	stream.linear.scatter [tilespmem:s6], [sflag:$0x6], $0x7000, $0x38;
	[tilespmem:$0x1CC80] =	vst v63  }
0x15a: {  	_ =	swait.ge [sflag:s11], $0x7000  }
0x15b: {  	[sflag:s11] =	ssyncset.done $0x0  }
0x15c: {  	[sflag:s11] =	ssyncadd.s32 $0xFFFF9000  }
0x15d: {  	[tilespmem:s13], [sflag:$0x4] =	stream.indirect.gather [hbm4b:s3+s10], $0x80, s19, s10, $0xb8;
	[tilespmem:$0x1CC80] =	vst v63  }
0x15e: {  	_ =	swait.ge [sflag:s16], $0x7000  }
0x15f: {  	[sflag:s16] =	ssyncset.done $0x0  }
0x160: {  	s26 =	rddreg [dreg:$0xe];
	[sflag:s16] =	ssyncadd.s32 $0xFFFF9000  }
0x161: {  	[hbm4b:s26+s2] =	stream.linear.scatter [tilespmem:s15], [sflag:$0x7], $0x7000, $0x38;
	[tilespmem:$0x1CC80] =	vst v63  }
0x162: {  	_ =	swait.ge [sflag:s4], $0x7000  }
0x163: {  	[sflag:s4] =	ssyncset.done $0x0  }
0x164: {  	[sflag:s4] =	ssyncadd.s32 $0xFFFF9000  }
0x165: {  	[tilespmem:s7], [sflag:$0x1] =	stream.indirect.gather [hbm4b:s3+s10], $0x80, s18, s10, $0xb8;
	[tilespmem:$0x1CC80] =	vst v63  }
0x166: {  	_ =	swait.ge [sflag:s14], $0x7000  }
0x167: {  	[sflag:s14] =	ssyncset.done $0x0  }
0x168: {  	s28 =	rddreg [dreg:$0xf];
	[sflag:s14] =	ssyncadd.s32 $0xFFFF9000  }
0x169: {  	[hbm4b:s28+s2] =	stream.linear.scatter [tilespmem:s13], [sflag:$0x8], $0x7000, $0x38;
	[tilespmem:$0x1CC80] =	vst v63  }
0x16a: {  	_ =	swait.ge [sflag:s5], $0x7000  }
0x16b: {  	[sflag:s5] =	ssyncset.done $0x0  }
0x16c: {  	[sflag:s5] =	ssyncadd.s32 $0xFFFF9000  }
0x16d: {  	[tilespmem:s6], [sflag:$0x2] =	stream.indirect.gather [hbm4b:s3+s10], $0x80, s17, s10, $0xb8;
	[tilespmem:$0x1CC80] =	vst v63  }
0x16e: {  	_ =	swait.ge [sflag:s9], $0x7000  }
0x16f: {  	[sflag:s9] =	ssyncset.done $0x0  }
0x170: {  	s29 =	rddreg [dreg:$0x10];
	[sflag:s9] =	ssyncadd.s32 $0xFFFF9000  }
0x171: {  	[hbm4b:s29+s2] =	stream.linear.scatter [tilespmem:s7], [sflag:$0x5], $0x7000, $0x38;
	[tilespmem:$0x1CC80] =	vst v63  }
0x172: {  	_ =	swait.ge [sflag:s8], $0x7000  }
0x173: {  	[sflag:s8] =	ssyncset.done $0x0  }
0x174: {  	s30 =	rddreg [dreg:$0x11];
	[sflag:s8] =	ssyncadd.s32 $0xFFFF9000  }
0x175: {  	[hbm4b:s30+s2] =	stream.linear.scatter [tilespmem:s6], [sflag:$0x6], $0x7000, $0x38;
	[tilespmem:$0x1CC80] =	vst v63  }
0x176: {  	_ =	swait.ge [sflag:s12], $0x7000  }
0x177: {  	[sflag:s12] =	ssyncset.done $0x0  }
0x178: {  	[sflag:s12] =	ssyncadd.s32 $0xFFFF9000  }
0x179: {  	_ =	swait.ge [sflag:s11], $0x7000  }
0x17a: {  	[sflag:s11] =	ssyncset.done $0x0  }
0x17b: {  	[sflag:s11] =	ssyncadd.s32 $0xFFFF9000  }
0x17c: {  	_ =	swait.ge [sflag:s4], $0x7000  }
0x17d: {  	[sflag:s4] =	ssyncset.done $0x0  }
0x17e: {  	[sflag:s4] =	ssyncadd.s32 $0xFFFF9000  }
0x17f: {  	_ =	swait.ge [sflag:s5], $0x7000  }
0x180: {  	[sflag:s5] =	ssyncset.done $0x0  }
0x181: {  	[sflag:s5] =	ssyncadd.s32 $0xFFFF9000  }
0x182: {  	_ =	sfence.sel $0x180000  }
0x183: {  	[bflag:$0x0] =	sbarrier.arrive $0xFFFF  }
0x184: {  	_ =	strace $0x90000047  }
0x185: {  	s31 =	stileid.u32;
	[bflag:$0x2] =	sbarrier.arrive $0xFFFF  }
0x186: {  	p0 =	sne.s32 s31, $0x0;
	s0 =	rddreg [dreg:$0x3]  }
0x187: {  	s0 =	sadd.s32 @!p0 $0x100000, s0  }
0x188: {  	[sflag:s0] =	ssyncadd.tile.s32 @!p0 $0x1;
	_ =	shalt  }
.Lfunc_end2:
_tile_overlayer_lowered:
.L_overlay_start_2:
0x189: {  	(tag) =	ssettag $0x2  }
0x18a: {  	s0 =	rddreg [dreg:$0x0];
	s2 =	stileid.u32  }
0x18b: {  	s1 =	rddreg [dreg:$0x1];
	p0 =	sne.s32 s2, $0x0  }
0x18c: {  	s3 =	rddreg [dreg:$0x2];
	[bflag:$0x3] =	sbarrier.arrive $0xFFFF;
	s2 =	simm.s32 @!p0 $0x1C09  }
0x18d: {  	[timem:s3], [sflag:s2] =	dma.local @!p0 [hbm:s0], s1  }
0x18e: {  	s0 =	simm.s32 @!p0 $0x9  }
0x18f: {  	_ =	swait.ge @!p0 [sflag:s0], s1  }
0x190: {  	s1 =	ssub.s32 @!p0 $0x0, s1;
	[sflag:s0] =	ssyncset.done @!p0 $0x0  }
0x191: {  	[sflag:s0] =	ssyncadd.s32 @!p0 s1  }
0x192: {  	[bflag:$0x3] =	sbarrier.arrive $0xFFFF  }
0x193: {  	_ =	shalt  }

</sc_bundles>
